<compile_context>
chip_gen: v7x
topology: tpu7x:2x2x1
jax: 0.10.2.dev20260603
libtpu: 0.0.44.dev20260713+nightly
codegen_flags: <defaults>
</compile_context>

<pallas_src>
import dataclasses
import functools

import jax
import jax.numpy as jnp
import numpy as np
from jax import lax
from jax.experimental import pallas as pl
from jax.experimental.pallas import tpu as pltpu
from jax.experimental.pallas import tpu_sc as plsc

RADIUS = 0.2
NSAMPLE = 32
PE_DIM = 24
STEM = 128
PATCH = 256

B, N, S = 4, 8192, 512
GW = 128
NC, NS_SC, L = 2, 16, 16
NW = NC * NS_SC
CPW = (B * S) // NW
SBLK = S // (NW // B)
NVEC = N // L
GCHUNK = 256
ROWS_PW = (B * S * NSAMPLE) // NW


def _bf16r(v):
    u = plsc.bitcast(v, jnp.int32)
    r = (u + 0x7FFF + jnp.bitwise_and(jnp.right_shift(u, 16), 1)) & jnp.int32(-65536)
    return plsc.bitcast(r, jnp.float32)


def _sc_select(xyzT, centT):
    mesh = plsc.VectorSubcoreMesh(core_axis_name="c", subcore_axis_name="s")
    r2 = np.float32(RADIUS * RADIUS)
    cp = pltpu.CompilerParams()
    if "needs_layout_passes" in pltpu.CompilerParams.__dataclass_fields__:
        cp = dataclasses.replace(cp, needs_layout_passes=False)

    @functools.partial(
        pl.kernel,
        compiler_params=cp,
        out_type=(
            jax.ShapeDtypeStruct((B, S, NSAMPLE), jnp.int32),
            jax.ShapeDtypeStruct((B * S, NSAMPLE), jnp.int32),
            jax.ShapeDtypeStruct((B * S, 3 * NSAMPLE), jnp.float32),
        ),
        mesh=mesh,
        scratch_types=[
            pltpu.VMEM((1, N), jnp.float32),
            pltpu.VMEM((1, N), jnp.float32),
            pltpu.VMEM((1, N), jnp.float32),
            pltpu.VMEM((1, N), jnp.float32),
            pltpu.VMEM((1, N), jnp.float32),
            pltpu.VMEM((1, N), jnp.float32),
            pltpu.VMEM((1, N), jnp.float32),
            pltpu.VMEM((1, S), jnp.float32),
            pltpu.VMEM((1, S), jnp.float32),
            pltpu.VMEM((1, S), jnp.float32),
            pltpu.VMEM((128,), jnp.int32),
            pltpu.VMEM((SBLK, NSAMPLE), jnp.int32),
            pltpu.VMEM((SBLK, NSAMPLE), jnp.int32),
            pltpu.VMEM((SBLK, 3 * NSAMPLE), jnp.float32),
        ],
    )
    def sel_kernel(xyz_hbm, cent_hbm, nbr_hbm, flat_hbm, rel_hbm,
                   xv, yv, zv, nv, xrv, yrv, zrv, cxv, cyv, czv, cand, outv,
                   flatv, relv):
        wid = lax.axis_index("s") * NC + lax.axis_index("c")
        b = wid // (NW // B)
        s0 = (wid % (NW // B)) * SBLK
        pltpu.sync_copy(xyz_hbm.at[pl.ds(b * 3 + 0, 1)], xv)
        pltpu.sync_copy(xyz_hbm.at[pl.ds(b * 3 + 1, 1)], yv)
        pltpu.sync_copy(xyz_hbm.at[pl.ds(b * 3 + 2, 1)], zv)
        pltpu.sync_copy(cent_hbm.at[pl.ds(b * 3 + 0, 1)], cxv)
        pltpu.sync_copy(cent_hbm.at[pl.ds(b * 3 + 1, 1)], cyv)
        pltpu.sync_copy(cent_hbm.at[pl.ds(b * 3 + 2, 1)], czv)

        @pl.loop(0, N, step=L)
        def _(i):
            x = xv[0, pl.ds(i, L)]
            y = yv[0, pl.ds(i, L)]
            z = zv[0, pl.ds(i, L)]
            nv[0, pl.ds(i, L)] = (x * x + y * y) + z * z
            xrv[0, pl.ds(i, L)] = np.float32(-2.0) * _bf16r(x)
            yrv[0, pl.ds(i, L)] = np.float32(-2.0) * _bf16r(y)
            zrv[0, pl.ds(i, L)] = np.float32(-2.0) * _bf16r(z)

        iota16 = lax.iota(jnp.int32, L)

        @pl.loop(0, SBLK)
        def _center(j):
            jv = jnp.full((L,), j + s0, jnp.int32)
            zv16 = jnp.zeros((L,), jnp.int32)
            cx = plsc.load_gather(cxv, [zv16, jv])
            cy = plsc.load_gather(cyv, [zv16, jv])
            cz = plsc.load_gather(czv, [zv16, jv])
            cn = (cx * cx + cy * cy) + cz * cz
            cxr = _bf16r(cx)
            cyr = _bf16r(cy)
            czr = _bf16r(cz)

            def one_vec(nb, cur):
                x = xrv[0, pl.ds(nb, L)]
                y = yrv[0, pl.ds(nb, L)]
                z = zrv[0, pl.ds(nb, L)]
                xn = nv[0, pl.ds(nb, L)]
                dot2 = (cxr * x + cyr * y) + czr * z
                d2 = (dot2 + cn) + xn
                m = d2 <= r2
                mi = m.astype(jnp.int32)
                rank = jnp.cumsum(mi)
                plsc.store_scatter(cand, [rank + (cur - 1)], iota16 + nb,
                                   mask=m)
                return cur + jnp.sum(mi)

            def cond(c):
                i, cur = c
                return jnp.logical_and(cur < NSAMPLE, i < NVEC // 2)

            def body(c):
                i, cur = c
                nb = i * (2 * L)
                cur = one_vec(nb, cur)
                cur = one_vec(nb + L, cur)
                return i + 1, cur

            _, found = lax.while_loop(cond, body, (0, 0))
            foundv = jnp.full((L,), jnp.minimum(found, NSAMPLE), jnp.int32)
            first = plsc.load_gather(cand, [jnp.zeros((L,), jnp.int32)])
            firstv = jnp.where(foundv > 0, first, jnp.full((L,), N, jnp.int32))
            bo = jnp.full((L,), b * N, jnp.int32)
            for v in range(NSAMPLE // L):
                kio = lax.iota(jnp.int32, L) + v * L
                cur = cand[pl.ds(v * L, L)]
                sel = jnp.where(kio < foundv, cur, firstv)
                clp = jnp.minimum(sel, N - 1)
                outv[j, pl.ds(v * L, L)] = sel
                flatv[j, pl.ds(v * L, L)] = clp + bo
                gx = plsc.load_gather(xv, [zv16, clp])
                gy = plsc.load_gather(yv, [zv16, clp])
                gz = plsc.load_gather(zv, [zv16, clp])
                relv[j, pl.ds(0 * NSAMPLE + v * L, L)] = gx - cx
                relv[j, pl.ds(1 * NSAMPLE + v * L, L)] = gy - cy
                relv[j, pl.ds(2 * NSAMPLE + v * L, L)] = gz - cz

        pltpu.sync_copy(outv, nbr_hbm.at[b, pl.ds(s0, SBLK)])
        pltpu.sync_copy(flatv, flat_hbm.at[pl.ds(b * S + s0, SBLK)])
        pltpu.sync_copy(relv, rel_hbm.at[pl.ds(b * S + s0, SBLK)])

    return sel_kernel(xyzT, centT)


def _sc_gather(table, flat_idx):
    mesh = plsc.VectorSubcoreMesh(core_axis_name="c", subcore_axis_name="s")

    nchunk = ROWS_PW // GCHUNK

    @functools.partial(
        pl.kernel,
        out_type=jax.ShapeDtypeStruct((B * S * NSAMPLE, GW), jnp.float32),
        mesh=mesh,
        scratch_types=[
            pltpu.VMEM((ROWS_PW,), jnp.int32),
            pltpu.VMEM((GCHUNK, GW), jnp.float32),
            pltpu.VMEM((GCHUNK, GW), jnp.float32),
            pltpu.SemaphoreType.DMA,
            pltpu.SemaphoreType.DMA,
            pltpu.SemaphoreType.DMA,
            pltpu.SemaphoreType.DMA,
        ],
    )
    def gather_kernel_db(table_hbm, idx_hbm, out_hbm, idxv, buf0, buf1,
                         g0, g1, o0, o1):
        wid = lax.axis_index("s") * NC + lax.axis_index("c")
        base = wid * ROWS_PW
        pltpu.sync_copy(idx_hbm.at[pl.ds(base, ROWS_PW)], idxv)
        bufs = (buf0, buf1)
        gsems = (g0, g1)
        osems = (o0, o1)

        def gstart(c):
            return pltpu.async_copy(
                table_hbm.at[idxv.at[pl.ds(c * GCHUNK, GCHUNK)]],
                bufs[c % 2], gsems[c % 2])

        def ostart(c):
            return pltpu.async_copy(
                bufs[c % 2], out_hbm.at[pl.ds(base + c * GCHUNK, GCHUNK)],
                osems[c % 2])

        gh = {0: gstart(0), 1: gstart(1)}
        oh = {}
        for c in range(nchunk):
            gh[c].wait()
            oh[c] = ostart(c)
            if c + 2 < nchunk:
                oh[c].wait()
                gh[c + 2] = gstart(c + 2)
        oh[nchunk - 2].wait()
        oh[nchunk - 1].wait()

    return gather_kernel_db(table, flat_idx)


def _mlp_body(g_ref, r_ref, w1f_ref, w1rp_ref, b1_ref, w2_ref, b2_ref, o_ref):
    feat = g_ref[...]
    rel = r_ref[...]
    nf = PE_DIM // 6
    f4 = jnp.exp2(lax.broadcasted_iota(jnp.int32, (1, nf), 1).astype(jnp.float32))
    t = jnp.concatenate([rel[:, c:c + 1] * f4 for c in range(3)], axis=1)
    n = jnp.floor(t + np.float32(0.5))
    r = t - n
    r2 = r * r
    ps = ((((np.float32(0.07744687795639038) * r2
             + np.float32(-0.5981614589691162)) * r2
            + np.float32(2.550050973892212)) * r2
           + np.float32(-5.167707920074463)) * r2
          + np.float32(3.141592502593994)) * r
    pc = (((((np.float32(-0.024456139653921127) * r2
              + np.float32(0.2349717617034912)) * r2
             + np.float32(-1.335218906402588)) * r2
            + np.float32(4.058709621429443)) * r2
           + np.float32(-4.934802055358887)) * r2
          + np.float32(1.0))
    odd = jnp.bitwise_and(n.astype(jnp.int32), 1)
    sgn = jnp.where(odd == 1, np.float32(-1.0), np.float32(1.0))
    s = ps * sgn
    c4 = pc * sgn
    rp = jnp.concatenate([s[:, 0:4], c4[:, 0:4], s[:, 4:8], c4[:, 4:8],
                          s[:, 8:12], c4[:, 8:12], rel], axis=1)
    h = (
        jax.lax.dot_general(feat, w1f_ref[...], (((1,), (0,)), ((), ())),
                            preferred_element_type=jnp.float32)
        + jax.lax.dot_general(rp, w1rp_ref[...], (((1,), (0,)), ((), ())),
                              preferred_element_type=jnp.float32)
        + b1_ref[...]
    )
    h = jnp.maximum(h, 0.0)
    o = jax.lax.dot_general(h, w2_ref[...], (((1,), (0,)), ((), ())),
                            preferred_element_type=jnp.float32) + b2_ref[...]
    o3 = o.reshape(o.shape[0] // NSAMPLE, NSAMPLE, PATCH)
    o_ref[...] = jnp.max(o3, axis=1)


RBLK = 4096


def _tc_mlp(gathered, crep, W1f, W1rp, b1, W2, b2):
    nrow = B * S * NSAMPLE
    grid = (nrow // RBLK,)
    return pl.pallas_call(
        _mlp_body,
        grid=grid,
        in_specs=[
            pl.BlockSpec((RBLK, STEM), lambda i: (i, 0)),
            pl.BlockSpec((RBLK, 3), lambda i: (i, 0)),
            pl.BlockSpec((STEM, PATCH), lambda i: (0, 0)),
            pl.BlockSpec((PE_DIM + 3, PATCH), lambda i: (0, 0)),
            pl.BlockSpec((1, PATCH), lambda i: (0, 0)),
            pl.BlockSpec((PATCH, PATCH), lambda i: (0, 0)),
            pl.BlockSpec((1, PATCH), lambda i: (0, 0)),
        ],
        out_specs=pl.BlockSpec((RBLK // NSAMPLE, PATCH), lambda i: (i, 0)),
        out_shape=jax.ShapeDtypeStruct((B * S, PATCH), jnp.float32),
    )(gathered, crep, W1f, W1rp, b1, W2, b2)


def kernel(xyz, point_feature, patch_center, W1, b1, W2, b2):
    xyzT = jnp.transpose(xyz, (0, 2, 1)).reshape(B * 3, N)
    centT = jnp.transpose(patch_center, (0, 2, 1)).reshape(B * 3, S)
    neighbor_idx, flat_idx, rel = _sc_select(xyzT, centT)

    table = point_feature.reshape(B * N, STEM)
    rows = _sc_gather(table, flat_idx.reshape(-1))

    rel_flat = jnp.transpose(rel.reshape(B * S, 3, NSAMPLE),
                             (0, 2, 1)).reshape(B * S * NSAMPLE, 3)
    W1f = W1[:STEM]
    W1rp = jnp.concatenate([W1[STEM + 3:], W1[STEM:STEM + 3]], axis=0)
    pf = _tc_mlp(rows, rel_flat, W1f, W1rp, b1.reshape(1, PATCH), W2,
                 b2.reshape(1, PATCH))
    return pf.reshape(B, S, PATCH), neighbor_idx

# --- scband reference (transcript-rebuilt; emitter-appended) ---
"""Pipeline reference for scband-local-patch-encoder-70171175682080 (READ-ONLY COPY).

The authoritative reference and input builder live on the scoring server;
editing this copy changes nothing except your own understanding.
"""

import jax, jax.numpy as jnp
import numpy as np

RADIUS = 0.2
NSAMPLE = 32
PE_DIM = 24
STEM = 128
PATCH = 256


def square_distance(src, dst):
    # src [B,S,3], dst [B,N,3] -> [B,S,N]
    d = -2.0 * jnp.einsum('bsc,bnc->bsn', src, dst)
    d = d + jnp.sum(src ** 2, axis=-1)[:, :, None]
    d = d + jnp.sum(dst ** 2, axis=-1)[:, None, :]
    return d


def query_ball_point(radius, nsample, xyz, new_xyz):
    B, N, _ = xyz.shape
    S = new_xyz.shape[1]
    sqr = square_distance(new_xyz, xyz)
    gi = jnp.broadcast_to(jnp.arange(N)[None, None, :], (B, S, N))
    gi = jnp.where(sqr > radius * radius, N, gi)
    gi = jnp.sort(gi, axis=-1)[:, :, :nsample]
    first = jnp.broadcast_to(gi[:, :, 0:1], (B, S, nsample))
    gi = jnp.where(gi == N, first, gi)
    return gi


def index_points(points, idx):
    # points [B,N,C], idx [B,S,K] -> [B,S,K,C]
    return jax.vmap(lambda p, i: p[i])(points, idx)


def rel_pos_encoding(rel):
    # sinusoidal encoding, PE_DIM//6 frequencies per axis (sin+cos), 3 axes
    nf = PE_DIM // 6
    freqs = (2.0 ** jnp.arange(nf, dtype=jnp.float32)) * jnp.pi
    ang = rel[..., None] * freqs
    enc = jnp.concatenate([jnp.sin(ang), jnp.cos(ang)], axis=-1)
    return enc.reshape(rel.shape[:-1] + (PE_DIM,))


def setup_inputs(seed: int = 0):
    key = jax.random.key(seed)
    ks = jax.random.split(key, 8)
    B, N, S = 4, 8192, 512
    xyz = jax.random.uniform(ks[0], (B, N, 3), dtype=jnp.float32)
    point_feature = jax.random.normal(ks[1], (B, N, STEM), dtype=jnp.float32)
    patch_center = jax.random.uniform(ks[2], (B, S, 3), dtype=jnp.float32)
    din = STEM + 3 + PE_DIM
    W1 = jax.random.normal(ks[3], (din, PATCH), dtype=jnp.float32) * 0.05
    b1 = jnp.zeros((PATCH,), dtype=jnp.float32)
    W2 = jax.random.normal(ks[4], (PATCH, PATCH), dtype=jnp.float32) * 0.05
    b2 = jnp.zeros((PATCH,), dtype=jnp.float32)
    return {"xyz": xyz, "point_feature": point_feature, "patch_center": patch_center,
            "W1": W1, "b1": b1, "W2": W2, "b2": b2}


def reference(xyz, point_feature, patch_center, W1, b1, W2, b2):
    neighbor_idx = query_ball_point(RADIUS, NSAMPLE, xyz, patch_center)
    grouped_xyz = index_points(xyz, neighbor_idx)
    grouped_feature = index_points(point_feature, neighbor_idx)
    relative_xyz = grouped_xyz - patch_center[:, :, None, :]
    relative_position = rel_pos_encoding(relative_xyz)
    grouped_input = jnp.concatenate([grouped_feature, relative_xyz, relative_position], axis=-1)
    h = jax.nn.relu(grouped_input @ W1 + b1)
    out = h @ W2 + b2
    patch_feature = jnp.max(out, axis=2)
    return (patch_feature, neighbor_idx)

if __name__ == "__main__":
    import jax
    _d = setup_inputs()
    print(jax.jit(kernel)(*tuple(_d.values())))

</pallas_src>

<mosaic_0001>
#map = affine_map<(d0, d1) -> (0, 0)>
#map1 = affine_map<(d0, d1) -> (0)>
module attributes {stable_mosaic.version = 14 : i64} {
  func.func @gather_kernel_db(%arg0: i32, %arg1: i32, %arg2: memref<32768x128xf32, #tpu.memory_space<hbm>>, %arg3: memref<65536xi32, #tpu.memory_space<hbm>>, %arg4: memref<65536x128xf32, #tpu.memory_space<hbm>>, %arg5: memref<2048xi32, #tpu.memory_space<vmem>>, %arg6: memref<256x128xf32, #tpu.memory_space<vmem>>, %arg7: memref<256x128xf32, #tpu.memory_space<vmem>>, %arg8: memref<!tpu.dma_semaphore, #tpu.memory_space<semaphore_mem>>, %arg9: memref<!tpu.dma_semaphore, #tpu.memory_space<semaphore_mem>>, %arg10: memref<!tpu.dma_semaphore, #tpu.memory_space<semaphore_mem>>, %arg11: memref<!tpu.dma_semaphore, #tpu.memory_space<semaphore_mem>>) attributes {dimension_semantics = [#tpu.dimension_semantics<core_parallel>, #tpu.dimension_semantics<subcore_parallel>], iteration_bounds = array<i64: 2, 16>, scalar_prefetch = 0 : i64, scratch_operands = 7 : i64, tpu.core_type = #tpu.core_type<sc_vector_subcore>, window_params = [{transform_indices = #map}, {transform_indices = #map1}, {transform_indices = #map}]} {
    %mul3A = arith.constant 2 : i32
    %mul3A_0 = arith.muli %arg1, %mul3A : i32
    %add3A = arith.addi %mul3A_0, %arg0 : i32
    %mul3A_1 = arith.constant 2048 : i32
    %mul3A_2 = arith.muli %add3A, %mul3A_1 : i32
    "tpu.region"() ({
      %run_scoped3A = tpu.sem_alloc : memref<!tpu.dma_semaphore, #tpu.memory_space<semaphore_mem>>
      %dma_start3A_161 = tpu.memref_slice %arg3[%mul3A_2] : memref<65536xi32, #tpu.memory_space<hbm>> -> memref<2048xi32, #tpu.memory_space<hbm>>
      %dma_start3A_162 = tpu.memref_slice %arg3[%mul3A_2] : memref<65536xi32, #tpu.memory_space<hbm>> -> memref<2048xi32, #tpu.memory_space<hbm>>
      tpu.enqueue_dma source(%dma_start3A_162 : memref<2048xi32, #tpu.memory_space<hbm>>) target(%arg5 : memref<2048xi32, #tpu.memory_space<vmem>>) target_semaphore(%run_scoped3A : memref<!tpu.dma_semaphore, #tpu.memory_space<semaphore_mem>>)
      %dma_wait3A_163 = tpu.memref_slice %arg3[%mul3A_2] : memref<65536xi32, #tpu.memory_space<hbm>> -> memref<2048xi32, #tpu.memory_space<hbm>>
      %dma_wait3A_164 = tpu.memref_slice %arg3[%mul3A_2] : memref<65536xi32, #tpu.memory_space<hbm>> -> memref<2048xi32, #tpu.memory_space<hbm>>
      tpu.wait_dma2 semaphore(%run_scoped3A : memref<!tpu.dma_semaphore, #tpu.memory_space<semaphore_mem>>) src(%dma_wait3A_164 : memref<2048xi32, #tpu.memory_space<hbm>>) dst(%arg5 : memref<2048xi32, #tpu.memory_space<vmem>>)
      tpu.yield
    }) : () -> ()
    %dma_start3A = arith.constant 0 : i32
    %dma_start3A_3 = tpu.memref_slice %arg5[%dma_start3A] : memref<2048xi32, #tpu.memory_space<vmem>> -> memref<256xi32, #tpu.memory_space<vmem>>
    %dma_start3A_4 = arith.constant 0 : i32
    %dma_start3A_5 = arith.constant 0 : i32
    %dma_start3A_6 = tpu.memref_slice %arg2[%dma_start3A_4, %dma_start3A_5] : memref<32768x128xf32, #tpu.memory_space<hbm>> -> memref<32768x128xf32, #tpu.memory_space<hbm>>
    tpu.enqueue_indirect_dma source(%dma_start3A_6 : memref<32768x128xf32, #tpu.memory_space<hbm>>) target(%arg6 : memref<256x128xf32, #tpu.memory_space<vmem>>) offsets(%dma_start3A_3 : memref<256xi32, #tpu.memory_space<vmem>>) semaphore(%arg8 : memref<!tpu.dma_semaphore, #tpu.memory_space<semaphore_mem>>)
    %dma_start3A_7 = arith.constant 256 : i32
    %dma_start3A_8 = tpu.memref_slice %arg5[%dma_start3A_7] : memref<2048xi32, #tpu.memory_space<vmem>> -> memref<256xi32, #tpu.memory_space<vmem>>
    %dma_start3A_9 = arith.constant 0 : i32
    %dma_start3A_10 = arith.constant 0 : i32
    %dma_start3A_11 = tpu.memref_slice %arg2[%dma_start3A_9, %dma_start3A_10] : memref<32768x128xf32, #tpu.memory_space<hbm>> -> memref<32768x128xf32, #tpu.memory_space<hbm>>
    tpu.enqueue_indirect_dma source(%dma_start3A_11 : memref<32768x128xf32, #tpu.memory_space<hbm>>) target(%arg7 : memref<256x128xf32, #tpu.memory_space<vmem>>) offsets(%dma_start3A_8 : memref<256xi32, #tpu.memory_space<vmem>>) semaphore(%arg9 : memref<!tpu.dma_semaphore, #tpu.memory_space<semaphore_mem>>)
    %dma_wait3A = arith.constant 0 : i32
    %dma_wait3A_12 = tpu.memref_slice %arg5[%dma_wait3A] : memref<2048xi32, #tpu.memory_space<vmem>> -> memref<256xi32, #tpu.memory_space<vmem>>
    %dma_wait3A_13 = arith.constant 0 : i32
    %dma_wait3A_14 = arith.constant 0 : i32
    %dma_wait3A_15 = tpu.memref_slice %arg2[%dma_wait3A_13, %dma_wait3A_14] : memref<32768x128xf32, #tpu.memory_space<hbm>> -> memref<32768x128xf32, #tpu.memory_space<hbm>>
    tpu.wait_indirect_dma semaphore(%arg8 : memref<!tpu.dma_semaphore, #tpu.memory_space<semaphore_mem>>) src(%dma_wait3A_15 : memref<32768x128xf32, #tpu.memory_space<hbm>>) dst(%arg6 : memref<256x128xf32, #tpu.memory_space<vmem>>)
    %add3A_16 = arith.constant 0 : i32
    %add3A_17 = arith.addi %mul3A_2, %add3A_16 : i32
    %dma_start3A_18 = arith.constant 0 : i32
    %dma_start3A_19 = tpu.memref_slice %arg4[%add3A_17, %dma_start3A_18] : memref<65536x128xf32, #tpu.memory_space<hbm>> -> memref<256x128xf32, #tpu.memory_space<hbm>>
    %dma_start3A_20 = arith.constant 0 : i32
    %dma_start3A_21 = tpu.memref_slice %arg4[%add3A_17, %dma_start3A_20] : memref<65536x128xf32, #tpu.memory_space<hbm>> -> memref<256x128xf32, #tpu.memory_space<hbm>>
    tpu.enqueue_dma source(%arg6 : memref<256x128xf32, #tpu.memory_space<vmem>>) target(%dma_start3A_21 : memref<256x128xf32, #tpu.memory_space<hbm>>) target_semaphore(%arg10 : memref<!tpu.dma_semaphore, #tpu.memory_space<semaphore_mem>>)
    %dma_wait3A_22 = arith.constant 0 : i32
    %dma_wait3A_23 = tpu.memref_slice %arg4[%add3A_17, %dma_wait3A_22] : memref<65536x128xf32, #tpu.memory_space<hbm>> -> memref<256x128xf32, #tpu.memory_space<hbm>>
    %dma_wait3A_24 = arith.constant 0 : i32
    %dma_wait3A_25 = tpu.memref_slice %arg4[%add3A_17, %dma_wait3A_24] : memref<65536x128xf32, #tpu.memory_space<hbm>> -> memref<256x128xf32, #tpu.memory_space<hbm>>
    tpu.wait_dma2 semaphore(%arg10 : memref<!tpu.dma_semaphore, #tpu.memory_space<semaphore_mem>>) src(%arg6 : memref<256x128xf32, #tpu.memory_space<vmem>>) dst(%dma_wait3A_25 : memref<256x128xf32, #tpu.memory_space<hbm>>)
    %dma_start3A_26 = arith.constant 512 : i32
    %dma_start3A_27 = tpu.memref_slice %arg5[%dma_start3A_26] : memref<2048xi32, #tpu.memory_space<vmem>> -> memref<256xi32, #tpu.memory_space<vmem>>
    %dma_start3A_28 = arith.constant 0 : i32
    %dma_start3A_29 = arith.constant 0 : i32
    %dma_start3A_30 = tpu.memref_slice %arg2[%dma_start3A_28, %dma_start3A_29] : memref<32768x128xf32, #tpu.memory_space<hbm>> -> memref<32768x128xf32, #tpu.memory_space<hbm>>
    tpu.enqueue_indirect_dma source(%dma_start3A_30 : memref<32768x128xf32, #tpu.memory_space<hbm>>) target(%arg6 : memref<256x128xf32, #tpu.memory_space<vmem>>) offsets(%dma_start3A_27 : memref<256xi32, #tpu.memory_space<vmem>>) semaphore(%arg8 : memref<!tpu.dma_semaphore, #tpu.memory_space<semaphore_mem>>)
    %dma_wait3A_31 = arith.constant 256 : i32
    %dma_wait3A_32 = tpu.memref_slice %arg5[%dma_wait3A_31] : memref<2048xi32, #tpu.memory_space<vmem>> -> memref<256xi32, #tpu.memory_space<vmem>>
    %dma_wait3A_33 = arith.constant 0 : i32
    %dma_wait3A_34 = arith.constant 0 : i32
    %dma_wait3A_35 = tpu.memref_slice %arg2[%dma_wait3A_33, %dma_wait3A_34] : memref<32768x128xf32, #tpu.memory_space<hbm>> -> memref<32768x128xf32, #tpu.memory_space<hbm>>
    tpu.wait_indirect_dma semaphore(%arg9 : memref<!tpu.dma_semaphore, #tpu.memory_space<semaphore_mem>>) src(%dma_wait3A_35 : memref<32768x128xf32, #tpu.memory_space<hbm>>) dst(%arg7 : memref<256x128xf32, #tpu.memory_space<vmem>>)
    %add3A_36 = arith.constant 256 : i32
    %add3A_37 = arith.addi %mul3A_2, %add3A_36 : i32
    %dma_start3A_38 = arith.constant 0 : i32
    %dma_start3A_39 = tpu.memref_slice %arg4[%add3A_37, %dma_start3A_38] : memref<65536x128xf32, #tpu.memory_space<hbm>> -> memref<256x128xf32, #tpu.memory_space<hbm>>
    %dma_start3A_40 = arith.constant 0 : i32
    %dma_start3A_41 = tpu.memref_slice %arg4[%add3A_37, %dma_start3A_40] : memref<65536x128xf32, #tpu.memory_space<hbm>> -> memref<256x128xf32, #tpu.memory_space<hbm>>
    tpu.enqueue_dma source(%arg7 : memref<256x128xf32, #tpu.memory_space<vmem>>) target(%dma_start3A_41 : memref<256x128xf32, #tpu.memory_space<hbm>>) target_semaphore(%arg11 : memref<!tpu.dma_semaphore, #tpu.memory_space<semaphore_mem>>)
    %dma_wait3A_42 = arith.constant 0 : i32
    %dma_wait3A_43 = tpu.memref_slice %arg4[%add3A_37, %dma_wait3A_42] : memref<65536x128xf32, #tpu.memory_space<hbm>> -> memref<256x128xf32, #tpu.memory_space<hbm>>
    %dma_wait3A_44 = arith.constant 0 : i32
    %dma_wait3A_45 = tpu.memref_slice %arg4[%add3A_37, %dma_wait3A_44] : memref<65536x128xf32, #tpu.memory_space<hbm>> -> memref<256x128xf32, #tpu.memory_space<hbm>>
    tpu.wait_dma2 semaphore(%arg11 : memref<!tpu.dma_semaphore, #tpu.memory_space<semaphore_mem>>) src(%arg7 : memref<256x128xf32, #tpu.memory_space<vmem>>) dst(%dma_wait3A_45 : memref<256x128xf32, #tpu.memory_space<hbm>>)
    %dma_start3A_46 = arith.constant 768 : i32
    %dma_start3A_47 = tpu.memref_slice %arg5[%dma_start3A_46] : memref<2048xi32, #tpu.memory_space<vmem>> -> memref<256xi32, #tpu.memory_space<vmem>>
    %dma_start3A_48 = arith.constant 0 : i32
    %dma_start3A_49 = arith.constant 0 : i32
    %dma_start3A_50 = tpu.memref_slice %arg2[%dma_start3A_48, %dma_start3A_49] : memref<32768x128xf32, #tpu.memory_space<hbm>> -> memref<32768x128xf32, #tpu.memory_space<hbm>>
    tpu.enqueue_indirect_dma source(%dma_start3A_50 : memref<32768x128xf32, #tpu.memory_space<hbm>>) target(%arg7 : memref<256x128xf32, #tpu.memory_space<vmem>>) offsets(%dma_start3A_47 : memref<256xi32, #tpu.memory_space<vmem>>) semaphore(%arg9 : memref<!tpu.dma_semaphore, #tpu.memory_space<semaphore_mem>>)
    %dma_wait3A_51 = arith.constant 512 : i32
    %dma_wait3A_52 = tpu.memref_slice %arg5[%dma_wait3A_51] : memref<2048xi32, #tpu.memory_space<vmem>> -> memref<256xi32, #tpu.memory_space<vmem>>
    %dma_wait3A_53 = arith.constant 0 : i32
    %dma_wait3A_54 = arith.constant 0 : i32
    %dma_wait3A_55 = tpu.memref_slice %arg2[%dma_wait3A_53, %dma_wait3A_54] : memref<32768x128xf32, #tpu.memory_space<hbm>> -> memref<32768x128xf32, #tpu.memory_space<hbm>>
    tpu.wait_indirect_dma semaphore(%arg8 : memref<!tpu.dma_semaphore, #tpu.memory_space<semaphore_mem>>) src(%dma_wait3A_55 : memref<32768x128xf32, #tpu.memory_space<hbm>>) dst(%arg6 : memref<256x128xf32, #tpu.memory_space<vmem>>)
    %add3A_56 = arith.constant 512 : i32
    %add3A_57 = arith.addi %mul3A_2, %add3A_56 : i32
    %dma_start3A_58 = arith.constant 0 : i32
    %dma_start3A_59 = tpu.memref_slice %arg4[%add3A_57, %dma_start3A_58] : memref<65536x128xf32, #tpu.memory_space<hbm>> -> memref<256x128xf32, #tpu.memory_space<hbm>>
    %dma_start3A_60 = arith.constant 0 : i32
    %dma_start3A_61 = tpu.memref_slice %arg4[%add3A_57, %dma_start3A_60] : memref<65536x128xf32, #tpu.memory_space<hbm>> -> memref<256x128xf32, #tpu.memory_space<hbm>>
    tpu.enqueue_dma source(%arg6 : memref<256x128xf32, #tpu.memory_space<vmem>>) target(%dma_start3A_61 : memref<256x128xf32, #tpu.memory_space<hbm>>) target_semaphore(%arg10 : memref<!tpu.dma_semaphore, #tpu.memory_space<semaphore_mem>>)
    %dma_wait3A_62 = arith.constant 0 : i32
    %dma_wait3A_63 = tpu.memref_slice %arg4[%add3A_57, %dma_wait3A_62] : memref<65536x128xf32, #tpu.memory_space<hbm>> -> memref<256x128xf32, #tpu.memory_space<hbm>>
    %dma_wait3A_64 = arith.constant 0 : i32
    %dma_wait3A_65 = tpu.memref_slice %arg4[%add3A_57, %dma_wait3A_64] : memref<65536x128xf32, #tpu.memory_space<hbm>> -> memref<256x128xf32, #tpu.memory_space<hbm>>
    tpu.wait_dma2 semaphore(%arg10 : memref<!tpu.dma_semaphore, #tpu.memory_space<semaphore_mem>>) src(%arg6 : memref<256x128xf32, #tpu.memory_space<vmem>>) dst(%dma_wait3A_65 : memref<256x128xf32, #tpu.memory_space<hbm>>)
    %dma_start3A_66 = arith.constant 1024 : i32
    %dma_start3A_67 = tpu.memref_slice %arg5[%dma_start3A_66] : memref<2048xi32, #tpu.memory_space<vmem>> -> memref<256xi32, #tpu.memory_space<vmem>>
    %dma_start3A_68 = arith.constant 0 : i32
    %dma_start3A_69 = arith.constant 0 : i32
    %dma_start3A_70 = tpu.memref_slice %arg2[%dma_start3A_68, %dma_start3A_69] : memref<32768x128xf32, #tpu.memory_space<hbm>> -> memref<32768x128xf32, #tpu.memory_space<hbm>>
    tpu.enqueue_indirect_dma source(%dma_start3A_70 : memref<32768x128xf32, #tpu.memory_space<hbm>>) target(%arg6 : memref<256x128xf32, #tpu.memory_space<vmem>>) offsets(%dma_start3A_67 : memref<256xi32, #tpu.memory_space<vmem>>) semaphore(%arg8 : memref<!tpu.dma_semaphore, #tpu.memory_space<semaphore_mem>>)
    %dma_wait3A_71 = arith.constant 768 : i32
    %dma_wait3A_72 = tpu.memref_slice %arg5[%dma_wait3A_71] : memref<2048xi32, #tpu.memory_space<vmem>> -> memref<256xi32, #tpu.memory_space<vmem>>
    %dma_wait3A_73 = arith.constant 0 : i32
    %dma_wait3A_74 = arith.constant 0 : i32
    %dma_wait3A_75 = tpu.memref_slice %arg2[%dma_wait3A_73, %dma_wait3A_74] : memref<32768x128xf32, #tpu.memory_space<hbm>> -> memref<32768x128xf32, #tpu.memory_space<hbm>>
    tpu.wait_indirect_dma semaphore(%arg9 : memref<!tpu.dma_semaphore, #tpu.memory_space<semaphore_mem>>) src(%dma_wait3A_75 : memref<32768x128xf32, #tpu.memory_space<hbm>>) dst(%arg7 : memref<256x128xf32, #tpu.memory_space<vmem>>)
    %add3A_76 = arith.constant 768 : i32
    %add3A_77 = arith.addi %mul3A_2, %add3A_76 : i32
    %dma_start3A_78 = arith.constant 0 : i32
    %dma_start3A_79 = tpu.memref_slice %arg4[%add3A_77, %dma_start3A_78] : memref<65536x128xf32, #tpu.memory_space<hbm>> -> memref<256x128xf32, #tpu.memory_space<hbm>>
    %dma_start3A_80 = arith.constant 0 : i32
    %dma_start3A_81 = tpu.memref_slice %arg4[%add3A_77, %dma_start3A_80] : memref<65536x128xf32, #tpu.memory_space<hbm>> -> memref<256x128xf32, #tpu.memory_space<hbm>>
    tpu.enqueue_dma source(%arg7 : memref<256x128xf32, #tpu.memory_space<vmem>>) target(%dma_start3A_81 : memref<256x128xf32, #tpu.memory_space<hbm>>) target_semaphore(%arg11 : memref<!tpu.dma_semaphore, #tpu.memory_space<semaphore_mem>>)
    %dma_wait3A_82 = arith.constant 0 : i32
    %dma_wait3A_83 = tpu.memref_slice %arg4[%add3A_77, %dma_wait3A_82] : memref<65536x128xf32, #tpu.memory_space<hbm>> -> memref<256x128xf32, #tpu.memory_space<hbm>>
    %dma_wait3A_84 = arith.constant 0 : i32
    %dma_wait3A_85 = tpu.memref_slice %arg4[%add3A_77, %dma_wait3A_84] : memref<65536x128xf32, #tpu.memory_space<hbm>> -> memref<256x128xf32, #tpu.memory_space<hbm>>
    tpu.wait_dma2 semaphore(%arg11 : memref<!tpu.dma_semaphore, #tpu.memory_space<semaphore_mem>>) src(%arg7 : memref<256x128xf32, #tpu.memory_space<vmem>>) dst(%dma_wait3A_85 : memref<256x128xf32, #tpu.memory_space<hbm>>)
    %dma_start3A_86 = arith.constant 1280 : i32
    %dma_start3A_87 = tpu.memref_slice %arg5[%dma_start3A_86] : memref<2048xi32, #tpu.memory_space<vmem>> -> memref<256xi32, #tpu.memory_space<vmem>>
    %dma_start3A_88 = arith.constant 0 : i32
    %dma_start3A_89 = arith.constant 0 : i32
    %dma_start3A_90 = tpu.memref_slice %arg2[%dma_start3A_88, %dma_start3A_89] : memref<32768x128xf32, #tpu.memory_space<hbm>> -> memref<32768x128xf32, #tpu.memory_space<hbm>>
    tpu.enqueue_indirect_dma source(%dma_start3A_90 : memref<32768x128xf32, #tpu.memory_space<hbm>>) target(%arg7 : memref<256x128xf32, #tpu.memory_space<vmem>>) offsets(%dma_start3A_87 : memref<256xi32, #tpu.memory_space<vmem>>) semaphore(%arg9 : memref<!tpu.dma_semaphore, #tpu.memory_space<semaphore_mem>>)
    %dma_wait3A_91 = arith.constant 1024 : i32
    %dma_wait3A_92 = tpu.memref_slice %arg5[%dma_wait3A_91] : memref<2048xi32, #tpu.memory_space<vmem>> -> memref<256xi32, #tpu.memory_space<vmem>>
    %dma_wait3A_93 = arith.constant 0 : i32
    %dma_wait3A_94 = arith.constant 0 : i32
    %dma_wait3A_95 = tpu.memref_slice %arg2[%dma_wait3A_93, %dma_wait3A_94] : memref<32768x128xf32, #tpu.memory_space<hbm>> -> memref<32768x128xf32, #tpu.memory_space<hbm>>
    tpu.wait_indirect_dma semaphore(%arg8 : memref<!tpu.dma_semaphore, #tpu.memory_space<semaphore_mem>>) src(%dma_wait3A_95 : memref<32768x128xf32, #tpu.memory_space<hbm>>) dst(%arg6 : memref<256x128xf32, #tpu.memory_space<vmem>>)
    %add3A_96 = arith.constant 1024 : i32
    %add3A_97 = arith.addi %mul3A_2, %add3A_96 : i32
    %dma_start3A_98 = arith.constant 0 : i32
    %dma_start3A_99 = tpu.memref_slice %arg4[%add3A_97, %dma_start3A_98] : memref<65536x128xf32, #tpu.memory_space<hbm>> -> memref<256x128xf32, #tpu.memory_space<hbm>>
    %dma_start3A_100 = arith.constant 0 : i32
    %dma_start3A_101 = tpu.memref_slice %arg4[%add3A_97, %dma_start3A_100] : memref<65536x128xf32, #tpu.memory_space<hbm>> -> memref<256x128xf32, #tpu.memory_space<hbm>>
    tpu.enqueue_dma source(%arg6 : memref<256x128xf32, #tpu.memory_space<vmem>>) target(%dma_start3A_101 : memref<256x128xf32, #tpu.memory_space<hbm>>) target_semaphore(%arg10 : memref<!tpu.dma_semaphore, #tpu.memory_space<semaphore_mem>>)
    %dma_wait3A_102 = arith.constant 0 : i32
    %dma_wait3A_103 = tpu.memref_slice %arg4[%add3A_97, %dma_wait3A_102] : memref<65536x128xf32, #tpu.memory_space<hbm>> -> memref<256x128xf32, #tpu.memory_space<hbm>>
    %dma_wait3A_104 = arith.constant 0 : i32
    %dma_wait3A_105 = tpu.memref_slice %arg4[%add3A_97, %dma_wait3A_104] : memref<65536x128xf32, #tpu.memory_space<hbm>> -> memref<256x128xf32, #tpu.memory_space<hbm>>
    tpu.wait_dma2 semaphore(%arg10 : memref<!tpu.dma_semaphore, #tpu.memory_space<semaphore_mem>>) src(%arg6 : memref<256x128xf32, #tpu.memory_space<vmem>>) dst(%dma_wait3A_105 : memref<256x128xf32, #tpu.memory_space<hbm>>)
    %dma_start3A_106 = arith.constant 1536 : i32
    %dma_start3A_107 = tpu.memref_slice %arg5[%dma_start3A_106] : memref<2048xi32, #tpu.memory_space<vmem>> -> memref<256xi32, #tpu.memory_space<vmem>>
    %dma_start3A_108 = arith.constant 0 : i32
    %dma_start3A_109 = arith.constant 0 : i32
    %dma_start3A_110 = tpu.memref_slice %arg2[%dma_start3A_108, %dma_start3A_109] : memref<32768x128xf32, #tpu.memory_space<hbm>> -> memref<32768x128xf32, #tpu.memory_space<hbm>>
    tpu.enqueue_indirect_dma source(%dma_start3A_110 : memref<32768x128xf32, #tpu.memory_space<hbm>>) target(%arg6 : memref<256x128xf32, #tpu.memory_space<vmem>>) offsets(%dma_start3A_107 : memref<256xi32, #tpu.memory_space<vmem>>) semaphore(%arg8 : memref<!tpu.dma_semaphore, #tpu.memory_space<semaphore_mem>>)
    %dma_wait3A_111 = arith.constant 1280 : i32
    %dma_wait3A_112 = tpu.memref_slice %arg5[%dma_wait3A_111] : memref<2048xi32, #tpu.memory_space<vmem>> -> memref<256xi32, #tpu.memory_space<vmem>>
    %dma_wait3A_113 = arith.constant 0 : i32
    %dma_wait3A_114 = arith.constant 0 : i32
    %dma_wait3A_115 = tpu.memref_slice %arg2[%dma_wait3A_113, %dma_wait3A_114] : memref<32768x128xf32, #tpu.memory_space<hbm>> -> memref<32768x128xf32, #tpu.memory_space<hbm>>
    tpu.wait_indirect_dma semaphore(%arg9 : memref<!tpu.dma_semaphore, #tpu.memory_space<semaphore_mem>>) src(%dma_wait3A_115 : memref<32768x128xf32, #tpu.memory_space<hbm>>) dst(%arg7 : memref<256x128xf32, #tpu.memory_space<vmem>>)
    %add3A_116 = arith.constant 1280 : i32
    %add3A_117 = arith.addi %mul3A_2, %add3A_116 : i32
    %dma_start3A_118 = arith.constant 0 : i32
    %dma_start3A_119 = tpu.memref_slice %arg4[%add3A_117, %dma_start3A_118] : memref<65536x128xf32, #tpu.memory_space<hbm>> -> memref<256x128xf32, #tpu.memory_space<hbm>>
    %dma_start3A_120 = arith.constant 0 : i32
    %dma_start3A_121 = tpu.memref_slice %arg4[%add3A_117, %dma_start3A_120] : memref<65536x128xf32, #tpu.memory_space<hbm>> -> memref<256x128xf32, #tpu.memory_space<hbm>>
    tpu.enqueue_dma source(%arg7 : memref<256x128xf32, #tpu.memory_space<vmem>>) target(%dma_start3A_121 : memref<256x128xf32, #tpu.memory_space<hbm>>) target_semaphore(%arg11 : memref<!tpu.dma_semaphore, #tpu.memory_space<semaphore_mem>>)
    %dma_wait3A_122 = arith.constant 0 : i32
    %dma_wait3A_123 = tpu.memref_slice %arg4[%add3A_117, %dma_wait3A_122] : memref<65536x128xf32, #tpu.memory_space<hbm>> -> memref<256x128xf32, #tpu.memory_space<hbm>>
    %dma_wait3A_124 = arith.constant 0 : i32
    %dma_wait3A_125 = tpu.memref_slice %arg4[%add3A_117, %dma_wait3A_124] : memref<65536x128xf32, #tpu.memory_space<hbm>> -> memref<256x128xf32, #tpu.memory_space<hbm>>
    tpu.wait_dma2 semaphore(%arg11 : memref<!tpu.dma_semaphore, #tpu.memory_space<semaphore_mem>>) src(%arg7 : memref<256x128xf32, #tpu.memory_space<vmem>>) dst(%dma_wait3A_125 : memref<256x128xf32, #tpu.memory_space<hbm>>)
    %dma_start3A_126 = arith.constant 1792 : i32
    %dma_start3A_127 = tpu.memref_slice %arg5[%dma_start3A_126] : memref<2048xi32, #tpu.memory_space<vmem>> -> memref<256xi32, #tpu.memory_space<vmem>>
    %dma_start3A_128 = arith.constant 0 : i32
    %dma_start3A_129 = arith.constant 0 : i32
    %dma_start3A_130 = tpu.memref_slice %arg2[%dma_start3A_128, %dma_start3A_129] : memref<32768x128xf32, #tpu.memory_space<hbm>> -> memref<32768x128xf32, #tpu.memory_space<hbm>>
    tpu.enqueue_indirect_dma source(%dma_start3A_130 : memref<32768x128xf32, #tpu.memory_space<hbm>>) target(%arg7 : memref<256x128xf32, #tpu.memory_space<vmem>>) offsets(%dma_start3A_127 : memref<256xi32, #tpu.memory_space<vmem>>) semaphore(%arg9 : memref<!tpu.dma_semaphore, #tpu.memory_space<semaphore_mem>>)
    %dma_wait3A_131 = arith.constant 1536 : i32
    %dma_wait3A_132 = tpu.memref_slice %arg5[%dma_wait3A_131] : memref<2048xi32, #tpu.memory_space<vmem>> -> memref<256xi32, #tpu.memory_space<vmem>>
    %dma_wait3A_133 = arith.constant 0 : i32
    %dma_wait3A_134 = arith.constant 0 : i32
    %dma_wait3A_135 = tpu.memref_slice %arg2[%dma_wait3A_133, %dma_wait3A_134] : memref<32768x128xf32, #tpu.memory_space<hbm>> -> memref<32768x128xf32, #tpu.memory_space<hbm>>
    tpu.wait_indirect_dma semaphore(%arg8 : memref<!tpu.dma_semaphore, #tpu.memory_space<semaphore_mem>>) src(%dma_wait3A_135 : memref<32768x128xf32, #tpu.memory_space<hbm>>) dst(%arg6 : memref<256x128xf32, #tpu.memory_space<vmem>>)
    %add3A_136 = arith.constant 1536 : i32
    %add3A_137 = arith.addi %mul3A_2, %add3A_136 : i32
    %dma_start3A_138 = arith.constant 0 : i32
    %dma_start3A_139 = tpu.memref_slice %arg4[%add3A_137, %dma_start3A_138] : memref<65536x128xf32, #tpu.memory_space<hbm>> -> memref<256x128xf32, #tpu.memory_space<hbm>>
    %dma_start3A_140 = arith.constant 0 : i32
    %dma_start3A_141 = tpu.memref_slice %arg4[%add3A_137, %dma_start3A_140] : memref<65536x128xf32, #tpu.memory_space<hbm>> -> memref<256x128xf32, #tpu.memory_space<hbm>>
    tpu.enqueue_dma source(%arg6 : memref<256x128xf32, #tpu.memory_space<vmem>>) target(%dma_start3A_141 : memref<256x128xf32, #tpu.memory_space<hbm>>) target_semaphore(%arg10 : memref<!tpu.dma_semaphore, #tpu.memory_space<semaphore_mem>>)
    %dma_wait3A_142 = arith.constant 1792 : i32
    %dma_wait3A_143 = tpu.memref_slice %arg5[%dma_wait3A_142] : memref<2048xi32, #tpu.memory_space<vmem>> -> memref<256xi32, #tpu.memory_space<vmem>>
    %dma_wait3A_144 = arith.constant 0 : i32
    %dma_wait3A_145 = arith.constant 0 : i32
    %dma_wait3A_146 = tpu.memref_slice %arg2[%dma_wait3A_144, %dma_wait3A_145] : memref<32768x128xf32, #tpu.memory_space<hbm>> -> memref<32768x128xf32, #tpu.memory_space<hbm>>
    tpu.wait_indirect_dma semaphore(%arg9 : memref<!tpu.dma_semaphore, #tpu.memory_space<semaphore_mem>>) src(%dma_wait3A_146 : memref<32768x128xf32, #tpu.memory_space<hbm>>) dst(%arg7 : memref<256x128xf32, #tpu.memory_space<vmem>>)
    %add3A_147 = arith.constant 1792 : i32
    %add3A_148 = arith.addi %mul3A_2, %add3A_147 : i32
    %dma_start3A_149 = arith.constant 0 : i32
    %dma_start3A_150 = tpu.memref_slice %arg4[%add3A_148, %dma_start3A_149] : memref<65536x128xf32, #tpu.memory_space<hbm>> -> memref<256x128xf32, #tpu.memory_space<hbm>>
    %dma_start3A_151 = arith.constant 0 : i32
    %dma_start3A_152 = tpu.memref_slice %arg4[%add3A_148, %dma_start3A_151] : memref<65536x128xf32, #tpu.memory_space<hbm>> -> memref<256x128xf32, #tpu.memory_space<hbm>>
    tpu.enqueue_dma source(%arg7 : memref<256x128xf32, #tpu.memory_space<vmem>>) target(%dma_start3A_152 : memref<256x128xf32, #tpu.memory_space<hbm>>) target_semaphore(%arg11 : memref<!tpu.dma_semaphore, #tpu.memory_space<semaphore_mem>>)
    %dma_wait3A_153 = arith.constant 0 : i32
    %dma_wait3A_154 = tpu.memref_slice %arg4[%add3A_137, %dma_wait3A_153] : memref<65536x128xf32, #tpu.memory_space<hbm>> -> memref<256x128xf32, #tpu.memory_space<hbm>>
    %dma_wait3A_155 = arith.constant 0 : i32
    %dma_wait3A_156 = tpu.memref_slice %arg4[%add3A_137, %dma_wait3A_155] : memref<65536x128xf32, #tpu.memory_space<hbm>> -> memref<256x128xf32, #tpu.memory_space<hbm>>
    tpu.wait_dma2 semaphore(%arg10 : memref<!tpu.dma_semaphore, #tpu.memory_space<semaphore_mem>>) src(%arg6 : memref<256x128xf32, #tpu.memory_space<vmem>>) dst(%dma_wait3A_156 : memref<256x128xf32, #tpu.memory_space<hbm>>)
    %dma_wait3A_157 = arith.constant 0 : i32
    %dma_wait3A_158 = tpu.memref_slice %arg4[%add3A_148, %dma_wait3A_157] : memref<65536x128xf32, #tpu.memory_space<hbm>> -> memref<256x128xf32, #tpu.memory_space<hbm>>
    %dma_wait3A_159 = arith.constant 0 : i32
    %dma_wait3A_160 = tpu.memref_slice %arg4[%add3A_148, %dma_wait3A_159] : memref<65536x128xf32, #tpu.memory_space<hbm>> -> memref<256x128xf32, #tpu.memory_space<hbm>>
    tpu.wait_dma2 semaphore(%arg11 : memref<!tpu.dma_semaphore, #tpu.memory_space<semaphore_mem>>) src(%arg7 : memref<256x128xf32, #tpu.memory_space<vmem>>) dst(%dma_wait3A_160 : memref<256x128xf32, #tpu.memory_space<hbm>>)
    return
  }
}

#map = affine_map<(d0, d1) -> (0, 0)>
#map1 = affine_map<(d0, d1) -> (0, 0, 0)>
module attributes {stable_mosaic.version = 14 : i64} {
  func.func @sel_kernel(%arg0: i32, %arg1: i32, %arg2: memref<12x8192xf32, #tpu.memory_space<hbm>>, %arg3: memref<12x512xf32, #tpu.memory_space<hbm>>, %arg4: memref<4x512x32xi32, #tpu.memory_space<hbm>>, %arg5: memref<2048x32xi32, #tpu.memory_space<hbm>>, %arg6: memref<2048x96xf32, #tpu.memory_space<hbm>>, %arg7: memref<1x8192xf32, #tpu.memory_space<vmem>>, %arg8: memref<1x8192xf32, #tpu.memory_space<vmem>>, %arg9: memref<1x8192xf32, #tpu.memory_space<vmem>>, %arg10: memref<1x8192xf32, #tpu.memory_space<vmem>>, %arg11: memref<1x8192xf32, #tpu.memory_space<vmem>>, %arg12: memref<1x8192xf32, #tpu.memory_space<vmem>>, %arg13: memref<1x8192xf32, #tpu.memory_space<vmem>>, %arg14: memref<1x512xf32, #tpu.memory_space<vmem>>, %arg15: memref<1x512xf32, #tpu.memory_space<vmem>>, %arg16: memref<1x512xf32, #tpu.memory_space<vmem>>, %arg17: memref<128xi32, #tpu.memory_space<vmem>>, %arg18: memref<64x32xi32, #tpu.memory_space<vmem>>, %arg19: memref<64x32xi32, #tpu.memory_space<vmem>>, %arg20: memref<64x96xf32, #tpu.memory_space<vmem>>) attributes {dimension_semantics = [#tpu.dimension_semantics<core_parallel>, #tpu.dimension_semantics<subcore_parallel>], iteration_bounds = array<i64: 2, 16>, scalar_prefetch = 0 : i64, scratch_operands = 14 : i64, tpu.core_type = #tpu.core_type<sc_vector_subcore>, window_params = [{transform_indices = #map}, {transform_indices = #map}, {transform_indices = #map1}, {transform_indices = #map}, {transform_indices = #map}]} {
    %mul3A = arith.constant 2 : i32
    %mul3A_0 = arith.muli %arg1, %mul3A : i32
    %add3A = arith.addi %mul3A_0, %arg0 : i32
    %jit3A = arith.constant 8 : i32
    %div3A = arith.divsi %add3A, %jit3A : i32
    %sign3A = arith.constant 0 : i32
    %sign3A_1 = arith.cmpi sgt, %add3A, %sign3A : i32
    %sign3A_2 = arith.extui %sign3A_1 : i1 to i32
    %sign3A_3 = arith.constant 0 : i32
    %sign3A_4 = arith.cmpi slt, %add3A, %sign3A_3 : i32
    %sign3A_5 = arith.extui %sign3A_4 : i1 to i32
    %sign3A_6 = arith.subi %sign3A_2, %sign3A_5 : i32
    %sign3A_7 = arith.constant 0 : i32
    %sign3A_8 = arith.cmpi sgt, %jit3A, %sign3A_7 : i32
    %sign3A_9 = arith.extui %sign3A_8 : i1 to i32
    %sign3A_10 = arith.constant 0 : i32
    %sign3A_11 = arith.cmpi slt, %jit3A, %sign3A_10 : i32
    %sign3A_12 = arith.extui %sign3A_11 : i1 to i32
    %sign3A_13 = arith.subi %sign3A_9, %sign3A_12 : i32
    %ne3A = arith.cmpi ne, %sign3A_6, %sign3A_13 : i32
    %rem3A = arith.remsi %add3A, %jit3A : i32
    %ne3A_14 = arith.constant 0 : i32
    %ne3A_15 = arith.cmpi ne, %rem3A, %ne3A_14 : i32
    %and3A = arith.andi %ne3A, %ne3A_15 : i1
    %sub3A = arith.constant 1 : i32
    %sub3A_16 = arith.subi %div3A, %sub3A : i32
    %select_n3A = arith.select %and3A, %sub3A_16, %div3A : i32
    %jit3A_17 = arith.constant 8 : i32
    %eq3A = arith.constant 0 : i32
    %eq3A_18 = arith.cmpi eq, %jit3A_17, %eq3A : i32
    %jit3A_19 = arith.constant 1 : i32
    %select_n3A_20 = arith.select %eq3A_18, %jit3A_19, %jit3A_17 : i32
    %rem3A_21 = arith.remsi %add3A, %select_n3A_20 : i32
    %ne3A_22 = arith.constant 0 : i32
    %ne3A_23 = arith.cmpi ne, %rem3A_21, %ne3A_22 : i32
    %lt3A = arith.constant 0 : i32
    %lt3A_24 = arith.cmpi slt, %rem3A_21, %lt3A : i32
    %lt3A_25 = arith.constant 0 : i32
    %lt3A_26 = arith.cmpi slt, %select_n3A_20, %lt3A_25 : i32
    %ne3A_27 = arith.xori %lt3A_24, %lt3A_26 : i1
    %and3A_28 = arith.andi %ne3A_27, %ne3A_23 : i1
    %add3A_29 = arith.addi %rem3A_21, %select_n3A_20 : i32
    %select_n3A_30 = arith.select %and3A_28, %add3A_29, %rem3A_21 : i32
    %mul3A_31 = arith.constant 64 : i32
    %mul3A_32 = arith.muli %select_n3A_30, %mul3A_31 : i32
    %mul3A_33 = arith.constant 3 : i32
    %mul3A_34 = arith.muli %select_n3A, %mul3A_33 : i32
    %add3A_35 = arith.constant 0 : i32
    %add3A_36 = arith.addi %mul3A_34, %add3A_35 : i32
    "tpu.region"() ({
      %run_scoped3A = tpu.sem_alloc : memref<!tpu.dma_semaphore, #tpu.memory_space<semaphore_mem>>
      %dma_start3A = arith.constant 0 : i32
      %dma_start3A_72 = tpu.memref_slice %arg2[%add3A_36, %dma_start3A] : memref<12x8192xf32, #tpu.memory_space<hbm>> -> memref<1x8192xf32, #tpu.memory_space<hbm>>
      %dma_start3A_73 = arith.constant 0 : i32
      %dma_start3A_74 = tpu.memref_slice %arg2[%add3A_36, %dma_start3A_73] : memref<12x8192xf32, #tpu.memory_space<hbm>> -> memref<1x8192xf32, #tpu.memory_space<hbm>>
      tpu.enqueue_dma source(%dma_start3A_74 : memref<1x8192xf32, #tpu.memory_space<hbm>>) target(%arg7 : memref<1x8192xf32, #tpu.memory_space<vmem>>) target_semaphore(%run_scoped3A : memref<!tpu.dma_semaphore, #tpu.memory_space<semaphore_mem>>)
      %dma_wait3A = arith.constant 0 : i32
      %dma_wait3A_75 = tpu.memref_slice %arg2[%add3A_36, %dma_wait3A] : memref<12x8192xf32, #tpu.memory_space<hbm>> -> memref<1x8192xf32, #tpu.memory_space<hbm>>
      %dma_wait3A_76 = arith.constant 0 : i32
      %dma_wait3A_77 = tpu.memref_slice %arg2[%add3A_36, %dma_wait3A_76] : memref<12x8192xf32, #tpu.memory_space<hbm>> -> memref<1x8192xf32, #tpu.memory_space<hbm>>
      tpu.wait_dma2 semaphore(%run_scoped3A : memref<!tpu.dma_semaphore, #tpu.memory_space<semaphore_mem>>) src(%dma_wait3A_77 : memref<1x8192xf32, #tpu.memory_space<hbm>>) dst(%arg7 : memref<1x8192xf32, #tpu.memory_space<vmem>>)
      tpu.yield
    }) : () -> ()
    %mul3A_37 = arith.constant 3 : i32
    %mul3A_38 = arith.muli %select_n3A, %mul3A_37 : i32
    %add3A_39 = arith.constant 1 : i32
    %add3A_40 = arith.addi %mul3A_38, %add3A_39 : i32
    "tpu.region"() ({
      %run_scoped3A = tpu.sem_alloc : memref<!tpu.dma_semaphore, #tpu.memory_space<semaphore_mem>>
      %dma_start3A = arith.constant 0 : i32
      %dma_start3A_72 = tpu.memref_slice %arg2[%add3A_40, %dma_start3A] : memref<12x8192xf32, #tpu.memory_space<hbm>> -> memref<1x8192xf32, #tpu.memory_space<hbm>>
      %dma_start3A_73 = arith.constant 0 : i32
      %dma_start3A_74 = tpu.memref_slice %arg2[%add3A_40, %dma_start3A_73] : memref<12x8192xf32, #tpu.memory_space<hbm>> -> memref<1x8192xf32, #tpu.memory_space<hbm>>
      tpu.enqueue_dma source(%dma_start3A_74 : memref<1x8192xf32, #tpu.memory_space<hbm>>) target(%arg8 : memref<1x8192xf32, #tpu.memory_space<vmem>>) target_semaphore(%run_scoped3A : memref<!tpu.dma_semaphore, #tpu.memory_space<semaphore_mem>>)
      %dma_wait3A = arith.constant 0 : i32
      %dma_wait3A_75 = tpu.memref_slice %arg2[%add3A_40, %dma_wait3A] : memref<12x8192xf32, #tpu.memory_space<hbm>> -> memref<1x8192xf32, #tpu.memory_space<hbm>>
      %dma_wait3A_76 = arith.constant 0 : i32
      %dma_wait3A_77 = tpu.memref_slice %arg2[%add3A_40, %dma_wait3A_76] : memref<12x8192xf32, #tpu.memory_space<hbm>> -> memref<1x8192xf32, #tpu.memory_space<hbm>>
      tpu.wait_dma2 semaphore(%run_scoped3A : memref<!tpu.dma_semaphore, #tpu.memory_space<semaphore_mem>>) src(%dma_wait3A_77 : memref<1x8192xf32, #tpu.memory_space<hbm>>) dst(%arg8 : memref<1x8192xf32, #tpu.memory_space<vmem>>)
      tpu.yield
    }) : () -> ()
    %mul3A_41 = arith.constant 3 : i32
    %mul3A_42 = arith.muli %select_n3A, %mul3A_41 : i32
    %add3A_43 = arith.constant 2 : i32
    %add3A_44 = arith.addi %mul3A_42, %add3A_43 : i32
    "tpu.region"() ({
      %run_scoped3A = tpu.sem_alloc : memref<!tpu.dma_semaphore, #tpu.memory_space<semaphore_mem>>
      %dma_start3A = arith.constant 0 : i32
      %dma_start3A_72 = tpu.memref_slice %arg2[%add3A_44, %dma_start3A] : memref<12x8192xf32, #tpu.memory_space<hbm>> -> memref<1x8192xf32, #tpu.memory_space<hbm>>
      %dma_start3A_73 = arith.constant 0 : i32
      %dma_start3A_74 = tpu.memref_slice %arg2[%add3A_44, %dma_start3A_73] : memref<12x8192xf32, #tpu.memory_space<hbm>> -> memref<1x8192xf32, #tpu.memory_space<hbm>>
      tpu.enqueue_dma source(%dma_start3A_74 : memref<1x8192xf32, #tpu.memory_space<hbm>>) target(%arg9 : memref<1x8192xf32, #tpu.memory_space<vmem>>) target_semaphore(%run_scoped3A : memref<!tpu.dma_semaphore, #tpu.memory_space<semaphore_mem>>)
      %dma_wait3A = arith.constant 0 : i32
      %dma_wait3A_75 = tpu.memref_slice %arg2[%add3A_44, %dma_wait3A] : memref<12x8192xf32, #tpu.memory_space<hbm>> -> memref<1x8192xf32, #tpu.memory_space<hbm>>
      %dma_wait3A_76 = arith.constant 0 : i32
      %dma_wait3A_77 = tpu.memref_slice %arg2[%add3A_44, %dma_wait3A_76] : memref<12x8192xf32, #tpu.memory_space<hbm>> -> memref<1x8192xf32, #tpu.memory_space<hbm>>
      tpu.wait_dma2 semaphore(%run_scoped3A : memref<!tpu.dma_semaphore, #tpu.memory_space<semaphore_mem>>) src(%dma_wait3A_77 : memref<1x8192xf32, #tpu.memory_space<hbm>>) dst(%arg9 : memref<1x8192xf32, #tpu.memory_space<vmem>>)
      tpu.yield
    }) : () -> ()
    %mul3A_45 = arith.constant 3 : i32
    %mul3A_46 = arith.muli %select_n3A, %mul3A_45 : i32
    %add3A_47 = arith.constant 0 : i32
    %add3A_48 = arith.addi %mul3A_46, %add3A_47 : i32
    "tpu.region"() ({
      %run_scoped3A = tpu.sem_alloc : memref<!tpu.dma_semaphore, #tpu.memory_space<semaphore_mem>>
      %dma_start3A = arith.constant 0 : i32
      %dma_start3A_72 = tpu.memref_slice %arg3[%add3A_48, %dma_start3A] : memref<12x512xf32, #tpu.memory_space<hbm>> -> memref<1x512xf32, #tpu.memory_space<hbm>>
      %dma_start3A_73 = arith.constant 0 : i32
      %dma_start3A_74 = tpu.memref_slice %arg3[%add3A_48, %dma_start3A_73] : memref<12x512xf32, #tpu.memory_space<hbm>> -> memref<1x512xf32, #tpu.memory_space<hbm>>
      tpu.enqueue_dma source(%dma_start3A_74 : memref<1x512xf32, #tpu.memory_space<hbm>>) target(%arg14 : memref<1x512xf32, #tpu.memory_space<vmem>>) target_semaphore(%run_scoped3A : memref<!tpu.dma_semaphore, #tpu.memory_space<semaphore_mem>>)
      %dma_wait3A = arith.constant 0 : i32
      %dma_wait3A_75 = tpu.memref_slice %arg3[%add3A_48, %dma_wait3A] : memref<12x512xf32, #tpu.memory_space<hbm>> -> memref<1x512xf32, #tpu.memory_space<hbm>>
      %dma_wait3A_76 = arith.constant 0 : i32
      %dma_wait3A_77 = tpu.memref_slice %arg3[%add3A_48, %dma_wait3A_76] : memref<12x512xf32, #tpu.memory_space<hbm>> -> memref<1x512xf32, #tpu.memory_space<hbm>>
      tpu.wait_dma2 semaphore(%run_scoped3A : memref<!tpu.dma_semaphore, #tpu.memory_space<semaphore_mem>>) src(%dma_wait3A_77 : memref<1x512xf32, #tpu.memory_space<hbm>>) dst(%arg14 : memref<1x512xf32, #tpu.memory_space<vmem>>)
      tpu.yield
    }) : () -> ()
    %mul3A_49 = arith.constant 3 : i32
    %mul3A_50 = arith.muli %select_n3A, %mul3A_49 : i32
    %add3A_51 = arith.constant 1 : i32
    %add3A_52 = arith.addi %mul3A_50, %add3A_51 : i32
    "tpu.region"() ({
      %run_scoped3A = tpu.sem_alloc : memref<!tpu.dma_semaphore, #tpu.memory_space<semaphore_mem>>
      %dma_start3A = arith.constant 0 : i32
      %dma_start3A_72 = tpu.memref_slice %arg3[%add3A_52, %dma_start3A] : memref<12x512xf32, #tpu.memory_space<hbm>> -> memref<1x512xf32, #tpu.memory_space<hbm>>
      %dma_start3A_73 = arith.constant 0 : i32
      %dma_start3A_74 = tpu.memref_slice %arg3[%add3A_52, %dma_start3A_73] : memref<12x512xf32, #tpu.memory_space<hbm>> -> memref<1x512xf32, #tpu.memory_space<hbm>>
      tpu.enqueue_dma source(%dma_start3A_74 : memref<1x512xf32, #tpu.memory_space<hbm>>) target(%arg15 : memref<1x512xf32, #tpu.memory_space<vmem>>) target_semaphore(%run_scoped3A : memref<!tpu.dma_semaphore, #tpu.memory_space<semaphore_mem>>)
      %dma_wait3A = arith.constant 0 : i32
      %dma_wait3A_75 = tpu.memref_slice %arg3[%add3A_52, %dma_wait3A] : memref<12x512xf32, #tpu.memory_space<hbm>> -> memref<1x512xf32, #tpu.memory_space<hbm>>
      %dma_wait3A_76 = arith.constant 0 : i32
      %dma_wait3A_77 = tpu.memref_slice %arg3[%add3A_52, %dma_wait3A_76] : memref<12x512xf32, #tpu.memory_space<hbm>> -> memref<1x512xf32, #tpu.memory_space<hbm>>
      tpu.wait_dma2 semaphore(%run_scoped3A : memref<!tpu.dma_semaphore, #tpu.memory_space<semaphore_mem>>) src(%dma_wait3A_77 : memref<1x512xf32, #tpu.memory_space<hbm>>) dst(%arg15 : memref<1x512xf32, #tpu.memory_space<vmem>>)
      tpu.yield
    }) : () -> ()
    %mul3A_53 = arith.constant 3 : i32
    %mul3A_54 = arith.muli %select_n3A, %mul3A_53 : i32
    %add3A_55 = arith.constant 2 : i32
    %add3A_56 = arith.addi %mul3A_54, %add3A_55 : i32
    "tpu.region"() ({
      %run_scoped3A = tpu.sem_alloc : memref<!tpu.dma_semaphore, #tpu.memory_space<semaphore_mem>>
      %dma_start3A = arith.constant 0 : i32
      %dma_start3A_72 = tpu.memref_slice %arg3[%add3A_56, %dma_start3A] : memref<12x512xf32, #tpu.memory_space<hbm>> -> memref<1x512xf32, #tpu.memory_space<hbm>>
      %dma_start3A_73 = arith.constant 0 : i32
      %dma_start3A_74 = tpu.memref_slice %arg3[%add3A_56, %dma_start3A_73] : memref<12x512xf32, #tpu.memory_space<hbm>> -> memref<1x512xf32, #tpu.memory_space<hbm>>
      tpu.enqueue_dma source(%dma_start3A_74 : memref<1x512xf32, #tpu.memory_space<hbm>>) target(%arg16 : memref<1x512xf32, #tpu.memory_space<vmem>>) target_semaphore(%run_scoped3A : memref<!tpu.dma_semaphore, #tpu.memory_space<semaphore_mem>>)
      %dma_wait3A = arith.constant 0 : i32
      %dma_wait3A_75 = tpu.memref_slice %arg3[%add3A_56, %dma_wait3A] : memref<12x512xf32, #tpu.memory_space<hbm>> -> memref<1x512xf32, #tpu.memory_space<hbm>>
      %dma_wait3A_76 = arith.constant 0 : i32
      %dma_wait3A_77 = tpu.memref_slice %arg3[%add3A_56, %dma_wait3A_76] : memref<12x512xf32, #tpu.memory_space<hbm>> -> memref<1x512xf32, #tpu.memory_space<hbm>>
      tpu.wait_dma2 semaphore(%run_scoped3A : memref<!tpu.dma_semaphore, #tpu.memory_space<semaphore_mem>>) src(%dma_wait3A_77 : memref<1x512xf32, #tpu.memory_space<hbm>>) dst(%arg16 : memref<1x512xf32, #tpu.memory_space<vmem>>)
      tpu.yield
    }) : () -> ()
    %scan3A = arith.constant 0 : i32
    %scan3A_57 = arith.constant 512 : i32
    %scan3A_58 = arith.addi %scan3A, %scan3A_57 : i32
    %scan3A_59 = arith.constant 1 : i32
    scf.for %scan3A_72 = %scan3A to %scan3A_58 step %scan3A_59  : i32 {
      %mul3A_73 = arith.constant 16 : i32
      %mul3A_74 = arith.muli %scan3A_72, %mul3A_73 : i32
      %add3A_75 = arith.constant 0 : i32
      %add3A_76 = arith.addi %add3A_75, %mul3A_74 : i32
      %get3A = arith.constant 0 : i32
      %get3A_77 = arith.index_cast %get3A : i32 to index
      %get3A_78 = arith.index_cast %add3A_76 : i32 to index
      %get3A_79 = tpu.vector_load %arg7[%get3A_77, %get3A_78] {strides = array<i32>} : memref<1x8192xf32, #tpu.memory_space<vmem>>, vector<16xf32>,
      %get3A_80 = arith.constant 0 : i32
      %get3A_81 = arith.index_cast %get3A_80 : i32 to index
      %get3A_82 = arith.index_cast %add3A_76 : i32 to index
      %get3A_83 = tpu.vector_load %arg8[%get3A_81, %get3A_82] {strides = array<i32>} : memref<1x8192xf32, #tpu.memory_space<vmem>>, vector<16xf32>,
      %get3A_84 = arith.constant 0 : i32
      %get3A_85 = arith.index_cast %get3A_84 : i32 to index
      %get3A_86 = arith.index_cast %add3A_76 : i32 to index
      %get3A_87 = tpu.vector_load %arg9[%get3A_85, %get3A_86] {strides = array<i32>} : memref<1x8192xf32, #tpu.memory_space<vmem>>, vector<16xf32>,
      %mul3A_88 = arith.mulf %get3A_79, %get3A_79 : vector<16xf32>
      %mul3A_89 = arith.mulf %get3A_83, %get3A_83 : vector<16xf32>
      %add3A_90 = arith.addf %mul3A_88, %mul3A_89 : vector<16xf32>
      %mul3A_91 = arith.mulf %get3A_87, %get3A_87 : vector<16xf32>
      %add3A_92 = arith.addf %add3A_90, %mul3A_91 : vector<16xf32>
      %swap3A = arith.constant 0 : i32
      %swap3A_93 = arith.index_cast %swap3A : i32 to index
      %swap3A_94 = arith.index_cast %add3A_76 : i32 to index
      %swap3A_95 = tpu.vector_load %arg10[%swap3A_93, %swap3A_94] {strides = array<i32>} : memref<1x8192xf32, #tpu.memory_space<vmem>>, vector<16xf32>,
      tpu.vector_store %arg10[%swap3A_93, %swap3A_94], %add3A_92 {strides = array<i32>} : memref<1x8192xf32, #tpu.memory_space<vmem>>, vector<16xf32>,
      %bitcast3A = vector.bitcast %get3A_79 : vector<16xf32> to vector<16xi32>
      %add3A_96 = arith.constant 32767 : i32
      %add3A_97 = vector.broadcast %add3A_96 : i32 to vector<16xi32>
      %add3A_98 = arith.addi %bitcast3A, %add3A_97 : vector<16xi32>
      %shift_right_arithmetic3A = arith.constant 16 : i32
      %shift_right_arithmetic3A_99 = vector.broadcast %shift_right_arithmetic3A : i32 to vector<16xi32>
      %shift_right_arithmetic3A_100 = arith.shrsi %bitcast3A, %shift_right_arithmetic3A_99 : vector<16xi32>
      %and3A_101 = arith.constant 1 : i32
      %and3A_102 = vector.broadcast %and3A_101 : i32 to vector<16xi32>
      %and3A_103 = arith.andi %shift_right_arithmetic3A_100, %and3A_102 : vector<16xi32>
      %add3A_104 = arith.addi %add3A_98, %and3A_103 : vector<16xi32>
      %and3A_105 = arith.constant -65536 : i32
      %and3A_106 = vector.broadcast %and3A_105 : i32 to vector<16xi32>
      %and3A_107 = arith.andi %add3A_104, %and3A_106 : vector<16xi32>
      %bitcast3A_108 = vector.bitcast %and3A_107 : vector<16xi32> to vector<16xf32>
      %mul3A_109 = arith.constant -2.000000e+00 : f32
      %mul3A_110 = vector.broadcast %mul3A_109 : f32 to vector<16xf32>
      %mul3A_111 = arith.mulf %mul3A_110, %bitcast3A_108 : vector<16xf32>
      %swap3A_112 = arith.constant 0 : i32
      %swap3A_113 = arith.index_cast %swap3A_112 : i32 to index
      %swap3A_114 = arith.index_cast %add3A_76 : i32 to index
      %swap3A_115 = tpu.vector_load %arg11[%swap3A_113, %swap3A_114] {strides = array<i32>} : memref<1x8192xf32, #tpu.memory_space<vmem>>, vector<16xf32>,
      tpu.vector_store %arg11[%swap3A_113, %swap3A_114], %mul3A_111 {strides = array<i32>} : memref<1x8192xf32, #tpu.memory_space<vmem>>, vector<16xf32>,
      %bitcast3A_116 = vector.bitcast %get3A_83 : vector<16xf32> to vector<16xi32>
      %add3A_117 = arith.constant 32767 : i32
      %add3A_118 = vector.broadcast %add3A_117 : i32 to vector<16xi32>
      %add3A_119 = arith.addi %bitcast3A_116, %add3A_118 : vector<16xi32>
      %shift_right_arithmetic3A_120 = arith.constant 16 : i32
      %shift_right_arithmetic3A_121 = vector.broadcast %shift_right_arithmetic3A_120 : i32 to vector<16xi32>
      %shift_right_arithmetic3A_122 = arith.shrsi %bitcast3A_116, %shift_right_arithmetic3A_121 : vector<16xi32>
      %and3A_123 = arith.constant 1 : i32
      %and3A_124 = vector.broadcast %and3A_123 : i32 to vector<16xi32>
      %and3A_125 = arith.andi %shift_right_arithmetic3A_122, %and3A_124 : vector<16xi32>
      %add3A_126 = arith.addi %add3A_119, %and3A_125 : vector<16xi32>
      %and3A_127 = arith.constant -65536 : i32
      %and3A_128 = vector.broadcast %and3A_127 : i32 to vector<16xi32>
      %and3A_129 = arith.andi %add3A_126, %and3A_128 : vector<16xi32>
      %bitcast3A_130 = vector.bitcast %and3A_129 : vector<16xi32> to vector<16xf32>
      %mul3A_131 = arith.constant -2.000000e+00 : f32
      %mul3A_132 = vector.broadcast %mul3A_131 : f32 to vector<16xf32>
      %mul3A_133 = arith.mulf %mul3A_132, %bitcast3A_130 : vector<16xf32>
      %swap3A_134 = arith.constant 0 : i32
      %swap3A_135 = arith.index_cast %swap3A_134 : i32 to index
      %swap3A_136 = arith.index_cast %add3A_76 : i32 to index
      %swap3A_137 = tpu.vector_load %arg12[%swap3A_135, %swap3A_136] {strides = array<i32>} : memref<1x8192xf32, #tpu.memory_space<vmem>>, vector<16xf32>,
      tpu.vector_store %arg12[%swap3A_135, %swap3A_136], %mul3A_133 {strides = array<i32>} : memref<1x8192xf32, #tpu.memory_space<vmem>>, vector<16xf32>,
      %bitcast3A_138 = vector.bitcast %get3A_87 : vector<16xf32> to vector<16xi32>
      %add3A_139 = arith.constant 32767 : i32
      %add3A_140 = vector.broadcast %add3A_139 : i32 to vector<16xi32>
      %add3A_141 = arith.addi %bitcast3A_138, %add3A_140 : vector<16xi32>
      %shift_right_arithmetic3A_142 = arith.constant 16 : i32
      %shift_right_arithmetic3A_143 = vector.broadcast %shift_right_arithmetic3A_142 : i32 to vector<16xi32>
      %shift_right_arithmetic3A_144 = arith.shrsi %bitcast3A_138, %shift_right_arithmetic3A_143 : vector<16xi32>
      %and3A_145 = arith.constant 1 : i32
      %and3A_146 = vector.broadcast %and3A_145 : i32 to vector<16xi32>
      %and3A_147 = arith.andi %shift_right_arithmetic3A_144, %and3A_146 : vector<16xi32>
      %add3A_148 = arith.addi %add3A_141, %and3A_147 : vector<16xi32>
      %and3A_149 = arith.constant -65536 : i32
      %and3A_150 = vector.broadcast %and3A_149 : i32 to vector<16xi32>
      %and3A_151 = arith.andi %add3A_148, %and3A_150 : vector<16xi32>
      %bitcast3A_152 = vector.bitcast %and3A_151 : vector<16xi32> to vector<16xf32>
      %mul3A_153 = arith.constant -2.000000e+00 : f32
      %mul3A_154 = vector.broadcast %mul3A_153 : f32 to vector<16xf32>
      %mul3A_155 = arith.mulf %mul3A_154, %bitcast3A_152 : vector<16xf32>
      %swap3A_156 = arith.constant 0 : i32
      %swap3A_157 = arith.index_cast %swap3A_156 : i32 to index
      %swap3A_158 = arith.index_cast %add3A_76 : i32 to index
      %swap3A_159 = tpu.vector_load %arg13[%swap3A_157, %swap3A_158] {strides = array<i32>} : memref<1x8192xf32, #tpu.memory_space<vmem>>, vector<16xf32>,
      tpu.vector_store %arg13[%swap3A_157, %swap3A_158], %mul3A_155 {strides = array<i32>} : memref<1x8192xf32, #tpu.memory_space<vmem>>, vector<16xf32>,
    }
    %scan3A_60 = arith.constant 512 : i32
    %iota3A = tpu.iota {dimensions = array<i32: 0>} : vector<16xi32>
    %scan3A_61 = arith.constant 0 : i32
    %scan3A_62 = arith.constant 64 : i32
    %scan3A_63 = arith.addi %scan3A_61, %scan3A_62 : i32
    %scan3A_64 = arith.constant 1 : i32
    scf.for %scan3A_72 = %scan3A_61 to %scan3A_63 step %scan3A_64  : i32 {
      %mul3A_73 = arith.constant 1 : i32
      %mul3A_74 = arith.muli %scan3A_72, %mul3A_73 : i32
      %add3A_75 = arith.constant 0 : i32
      %add3A_76 = arith.addi %add3A_75, %mul3A_74 : i32
      %add3A_77 = arith.addi %add3A_76, %mul3A_32 : i32
      %broadcast_in_dim3A = vector.broadcast %add3A_77 : i32 to vector<16xi32>
      %broadcast_in_dim3A_78 = arith.constant 0 : i32
      %broadcast_in_dim3A_79 = vector.broadcast %broadcast_in_dim3A_78 : i32 to vector<16xi32>
      %gather3A = tpu.vector_load_idx %arg14[%broadcast_in_dim3A_79, %broadcast_in_dim3A] : memref<1x512xf32, #tpu.memory_space<vmem>>[vector<16xi32>, vector<16xi32>], vector<16xf32>,
      %gather3A_80 = tpu.vector_load_idx %arg15[%broadcast_in_dim3A_79, %broadcast_in_dim3A] : memref<1x512xf32, #tpu.memory_space<vmem>>[vector<16xi32>, vector<16xi32>], vector<16xf32>,
      %gather3A_81 = tpu.vector_load_idx %arg16[%broadcast_in_dim3A_79, %broadcast_in_dim3A] : memref<1x512xf32, #tpu.memory_space<vmem>>[vector<16xi32>, vector<16xi32>], vector<16xf32>,
      %mul3A_82 = arith.mulf %gather3A, %gather3A : vector<16xf32>
      %mul3A_83 = arith.mulf %gather3A_80, %gather3A_80 : vector<16xf32>
      %add3A_84 = arith.addf %mul3A_82, %mul3A_83 : vector<16xf32>
      %mul3A_85 = arith.mulf %gather3A_81, %gather3A_81 : vector<16xf32>
      %add3A_86 = arith.addf %add3A_84, %mul3A_85 : vector<16xf32>
      %bitcast3A = vector.bitcast %gather3A : vector<16xf32> to vector<16xi32>
      %add3A_87 = arith.constant 32767 : i32
      %add3A_88 = vector.broadcast %add3A_87 : i32 to vector<16xi32>
      %add3A_89 = arith.addi %bitcast3A, %add3A_88 : vector<16xi32>
      %shift_right_arithmetic3A = arith.constant 16 : i32
      %shift_right_arithmetic3A_90 = vector.broadcast %shift_right_arithmetic3A : i32 to vector<16xi32>
      %shift_right_arithmetic3A_91 = arith.shrsi %bitcast3A, %shift_right_arithmetic3A_90 : vector<16xi32>
      %and3A_92 = arith.constant 1 : i32
      %and3A_93 = vector.broadcast %and3A_92 : i32 to vector<16xi32>
      %and3A_94 = arith.andi %shift_right_arithmetic3A_91, %and3A_93 : vector<16xi32>
      %add3A_95 = arith.addi %add3A_89, %and3A_94 : vector<16xi32>
      %and3A_96 = arith.constant -65536 : i32
      %and3A_97 = vector.broadcast %and3A_96 : i32 to vector<16xi32>
      %and3A_98 = arith.andi %add3A_95, %and3A_97 : vector<16xi32>
      %bitcast3A_99 = vector.bitcast %and3A_98 : vector<16xi32> to vector<16xf32>
      %bitcast3A_100 = vector.bitcast %gather3A_80 : vector<16xf32> to vector<16xi32>
      %add3A_101 = arith.constant 32767 : i32
      %add3A_102 = vector.broadcast %add3A_101 : i32 to vector<16xi32>
      %add3A_103 = arith.addi %bitcast3A_100, %add3A_102 : vector<16xi32>
      %shift_right_arithmetic3A_104 = arith.constant 16 : i32
      %shift_right_arithmetic3A_105 = vector.broadcast %shift_right_arithmetic3A_104 : i32 to vector<16xi32>
      %shift_right_arithmetic3A_106 = arith.shrsi %bitcast3A_100, %shift_right_arithmetic3A_105 : vector<16xi32>
      %and3A_107 = arith.constant 1 : i32
      %and3A_108 = vector.broadcast %and3A_107 : i32 to vector<16xi32>
      %and3A_109 = arith.andi %shift_right_arithmetic3A_106, %and3A_108 : vector<16xi32>
      %add3A_110 = arith.addi %add3A_103, %and3A_109 : vector<16xi32>
      %and3A_111 = arith.constant -65536 : i32
      %and3A_112 = vector.broadcast %and3A_111 : i32 to vector<16xi32>
      %and3A_113 = arith.andi %add3A_110, %and3A_112 : vector<16xi32>
      %bitcast3A_114 = vector.bitcast %and3A_113 : vector<16xi32> to vector<16xf32>
      %bitcast3A_115 = vector.bitcast %gather3A_81 : vector<16xf32> to vector<16xi32>
      %add3A_116 = arith.constant 32767 : i32
      %add3A_117 = vector.broadcast %add3A_116 : i32 to vector<16xi32>
      %add3A_118 = arith.addi %bitcast3A_115, %add3A_117 : vector<16xi32>
      %shift_right_arithmetic3A_119 = arith.constant 16 : i32
      %shift_right_arithmetic3A_120 = vector.broadcast %shift_right_arithmetic3A_119 : i32 to vector<16xi32>
      %shift_right_arithmetic3A_121 = arith.shrsi %bitcast3A_115, %shift_right_arithmetic3A_120 : vector<16xi32>
      %and3A_122 = arith.constant 1 : i32
      %and3A_123 = vector.broadcast %and3A_122 : i32 to vector<16xi32>
      %and3A_124 = arith.andi %shift_right_arithmetic3A_121, %and3A_123 : vector<16xi32>
      %add3A_125 = arith.addi %add3A_118, %and3A_124 : vector<16xi32>
      %and3A_126 = arith.constant -65536 : i32
      %and3A_127 = vector.broadcast %and3A_126 : i32 to vector<16xi32>
      %and3A_128 = arith.andi %add3A_125, %and3A_127 : vector<16xi32>
      %bitcast3A_129 = vector.bitcast %and3A_128 : vector<16xi32> to vector<16xf32>
      %while3A = arith.constant 0 : i32
      %while3A_130 = arith.constant 0 : i32
      %while3A_131:2 = scf.while (%while3A_209 = %while3A, %while3A_210 = %while3A_130) : (i32, i32) -> (i32, i32) {
        %lt3A_211 = arith.constant 32 : i32
        %lt3A_212 = arith.cmpi slt, %while3A_210, %lt3A_211 : i32
        %lt3A_213 = arith.constant 256 : i32
        %lt3A_214 = arith.cmpi slt, %while3A_209, %lt3A_213 : i32
        %and3A_215 = arith.andi %lt3A_212, %lt3A_214 : i1
        scf.condition(%and3A_215) %while3A_209, %while3A_210 : i32, i32
      } do {
      ^bb0(%while3A_209: i32, %while3A_210: i32):
        %mul3A_211 = arith.constant 32 : i32
        %mul3A_212 = arith.muli %while3A_209, %mul3A_211 : i32
        %get3A_213 = arith.constant 0 : i32
        %get3A_214 = arith.index_cast %get3A_213 : i32 to index
        %get3A_215 = arith.index_cast %mul3A_212 : i32 to index
        %get3A_216 = tpu.vector_load %arg11[%get3A_214, %get3A_215] {strides = array<i32>} : memref<1x8192xf32, #tpu.memory_space<vmem>>, vector<16xf32>,
        %get3A_217 = arith.constant 0 : i32
        %get3A_218 = arith.index_cast %get3A_217 : i32 to index
        %get3A_219 = arith.index_cast %mul3A_212 : i32 to index
        %get3A_220 = tpu.vector_load %arg12[%get3A_218, %get3A_219] {strides = array<i32>} : memref<1x8192xf32, #tpu.memory_space<vmem>>, vector<16xf32>,
        %get3A_221 = arith.constant 0 : i32
        %get3A_222 = arith.index_cast %get3A_221 : i32 to index
        %get3A_223 = arith.index_cast %mul3A_212 : i32 to index
        %get3A_224 = tpu.vector_load %arg13[%get3A_222, %get3A_223] {strides = array<i32>} : memref<1x8192xf32, #tpu.memory_space<vmem>>, vector<16xf32>,
        %get3A_225 = arith.constant 0 : i32
        %get3A_226 = arith.index_cast %get3A_225 : i32 to index
        %get3A_227 = arith.index_cast %mul3A_212 : i32 to index
        %get3A_228 = tpu.vector_load %arg10[%get3A_226, %get3A_227] {strides = array<i32>} : memref<1x8192xf32, #tpu.memory_space<vmem>>, vector<16xf32>,
        %mul3A_229 = arith.mulf %bitcast3A_99, %get3A_216 : vector<16xf32>
        %mul3A_230 = arith.mulf %bitcast3A_114, %get3A_220 : vector<16xf32>
        %add3A_231 = arith.addf %mul3A_229, %mul3A_230 : vector<16xf32>
        %mul3A_232 = arith.mulf %bitcast3A_129, %get3A_224 : vector<16xf32>
        %add3A_233 = arith.addf %add3A_231, %mul3A_232 : vector<16xf32>
        %add3A_234 = arith.addf %add3A_233, %add3A_86 : vector<16xf32>
        %add3A_235 = arith.addf %add3A_234, %get3A_228 : vector<16xf32>
        %le3A = arith.constant 4.000000e-02 : f32
        %le3A_236 = vector.broadcast %le3A : f32 to vector<16xf32>
        %le3A_237 = arith.cmpf ole, %add3A_235, %le3A_236 : vector<16xf32>
        %convert_element_type3A = arith.extui %le3A_237 : vector<16xi1> to vector<16xi32>
        %cumsum3A = arith.constant true
        %cumsum3A_238 = vector.broadcast %cumsum3A : i1 to vector<16xi1>
        %cumsum3A_239 = tpu.scan <sum>, %convert_element_type3A masked %cumsum3A_238 : vector<16xi32>, vector<16xi1> -> vector<16xi32>
        %sub3A_240 = arith.constant 1 : i32
        %sub3A_241 = arith.subi %while3A_210, %sub3A_240 : i32
        %add3A_242 = vector.broadcast %sub3A_241 : i32 to vector<16xi32>
        %add3A_243 = arith.addi %cumsum3A_239, %add3A_242 : vector<16xi32>
        %add3A_244 = vector.broadcast %mul3A_212 : i32 to vector<16xi32>
        %add3A_245 = arith.addi %iota3A, %add3A_244 : vector<16xi32>
        tpu.vector_store_idx %arg17[%add3A_243], %add3A_245 masked %le3A_237 : memref<128xi32, #tpu.memory_space<vmem>>[vector<16xi32>], vector<16xi32>, vector<16xi1>
        %reduce_sum3A = arith.constant true
        %reduce_sum3A_246 = vector.broadcast %reduce_sum3A : i1 to vector<16xi1>
        %reduce_sum3A_247 = tpu.scan <sum>, %convert_element_type3A masked %reduce_sum3A_246 : vector<16xi32>, vector<16xi1> -> vector<16xi32>
        %reduce_sum3A_248 = vector.extract %reduce_sum3A_247[15] : i32 from vector<16xi32>
        %add3A_249 = arith.addi %while3A_210, %reduce_sum3A_248 : i32
        %add3A_250 = arith.constant 16 : i32
        %add3A_251 = arith.addi %mul3A_212, %add3A_250 : i32
        %get3A_252 = arith.constant 0 : i32
        %get3A_253 = arith.index_cast %get3A_252 : i32 to index
        %get3A_254 = arith.index_cast %add3A_251 : i32 to index
        %get3A_255 = tpu.vector_load %arg11[%get3A_253, %get3A_254] {strides = array<i32>} : memref<1x8192xf32, #tpu.memory_space<vmem>>, vector<16xf32>,
        %get3A_256 = arith.constant 0 : i32
        %get3A_257 = arith.index_cast %get3A_256 : i32 to index
        %get3A_258 = arith.index_cast %add3A_251 : i32 to index
        %get3A_259 = tpu.vector_load %arg12[%get3A_257, %get3A_258] {strides = array<i32>} : memref<1x8192xf32, #tpu.memory_space<vmem>>, vector<16xf32>,
        %get3A_260 = arith.constant 0 : i32
        %get3A_261 = arith.index_cast %get3A_260 : i32 to index
        %get3A_262 = arith.index_cast %add3A_251 : i32 to index
        %get3A_263 = tpu.vector_load %arg13[%get3A_261, %get3A_262] {strides = array<i32>} : memref<1x8192xf32, #tpu.memory_space<vmem>>, vector<16xf32>,
        %get3A_264 = arith.constant 0 : i32
        %get3A_265 = arith.index_cast %get3A_264 : i32 to index
        %get3A_266 = arith.index_cast %add3A_251 : i32 to index
        %get3A_267 = tpu.vector_load %arg10[%get3A_265, %get3A_266] {strides = array<i32>} : memref<1x8192xf32, #tpu.memory_space<vmem>>, vector<16xf32>,
        %mul3A_268 = arith.mulf %bitcast3A_99, %get3A_255 : vector<16xf32>
        %mul3A_269 = arith.mulf %bitcast3A_114, %get3A_259 : vector<16xf32>
        %add3A_270 = arith.addf %mul3A_268, %mul3A_269 : vector<16xf32>
        %mul3A_271 = arith.mulf %bitcast3A_129, %get3A_263 : vector<16xf32>
        %add3A_272 = arith.addf %add3A_270, %mul3A_271 : vector<16xf32>
        %add3A_273 = arith.addf %add3A_272, %add3A_86 : vector<16xf32>
        %add3A_274 = arith.addf %add3A_273, %get3A_267 : vector<16xf32>
        %le3A_275 = arith.constant 4.000000e-02 : f32
        %le3A_276 = vector.broadcast %le3A_275 : f32 to vector<16xf32>
        %le3A_277 = arith.cmpf ole, %add3A_274, %le3A_276 : vector<16xf32>
        %convert_element_type3A_278 = arith.extui %le3A_277 : vector<16xi1> to vector<16xi32>
        %cumsum3A_279 = arith.constant true
        %cumsum3A_280 = vector.broadcast %cumsum3A_279 : i1 to vector<16xi1>
        %cumsum3A_281 = tpu.scan <sum>, %convert_element_type3A_278 masked %cumsum3A_280 : vector<16xi32>, vector<16xi1> -> vector<16xi32>
        %sub3A_282 = arith.constant 1 : i32
        %sub3A_283 = arith.subi %add3A_249, %sub3A_282 : i32
        %add3A_284 = vector.broadcast %sub3A_283 : i32 to vector<16xi32>
        %add3A_285 = arith.addi %cumsum3A_281, %add3A_284 : vector<16xi32>
        %add3A_286 = vector.broadcast %add3A_251 : i32 to vector<16xi32>
        %add3A_287 = arith.addi %iota3A, %add3A_286 : vector<16xi32>
        tpu.vector_store_idx %arg17[%add3A_285], %add3A_287 masked %le3A_277 : memref<128xi32, #tpu.memory_space<vmem>>[vector<16xi32>], vector<16xi32>, vector<16xi1>
        %reduce_sum3A_288 = arith.constant true
        %reduce_sum3A_289 = vector.broadcast %reduce_sum3A_288 : i1 to vector<16xi1>
        %reduce_sum3A_290 = tpu.scan <sum>, %convert_element_type3A_278 masked %reduce_sum3A_289 : vector<16xi32>, vector<16xi1> -> vector<16xi32>
        %reduce_sum3A_291 = vector.extract %reduce_sum3A_290[15] : i32 from vector<16xi32>
        %add3A_292 = arith.addi %add3A_249, %reduce_sum3A_291 : i32
        %add3A_293 = arith.constant 1 : i32
        %add3A_294 = arith.addi %while3A_209, %add3A_293 : i32
        scf.yield %add3A_294, %add3A_292 : i32, i32
      }
      %min3A = arith.constant 32 : i32
      %min3A_132 = arith.minsi %while3A_131#1, %min3A : i32
      %broadcast_in_dim3A_133 = vector.broadcast %min3A_132 : i32 to vector<16xi32>
      %broadcast_in_dim3A_134 = arith.constant 0 : i32
      %broadcast_in_dim3A_135 = vector.broadcast %broadcast_in_dim3A_134 : i32 to vector<16xi32>
      %gather3A_136 = tpu.vector_load_idx %arg17[%broadcast_in_dim3A_135] : memref<128xi32, #tpu.memory_space<vmem>>[vector<16xi32>], vector<16xi32>,
      %gt3A = arith.constant 0 : i32
      %gt3A_137 = vector.broadcast %gt3A : i32 to vector<16xi32>
      %gt3A_138 = arith.cmpi sgt, %broadcast_in_dim3A_133, %gt3A_137 : vector<16xi32>
      %broadcast_in_dim3A_139 = arith.constant 8192 : i32
      %broadcast_in_dim3A_140 = vector.broadcast %broadcast_in_dim3A_139 : i32 to vector<16xi32>
      %select_n3A_141 = arith.select %gt3A_138, %gather3A_136, %broadcast_in_dim3A_140 : vector<16xi1>, vector<16xi32>
      %mul3A_142 = arith.constant 8192 : i32
      %mul3A_143 = arith.muli %select_n3A, %mul3A_142 : i32
      %broadcast_in_dim3A_144 = vector.broadcast %mul3A_143 : i32 to vector<16xi32>
      %iota3A_145 = tpu.iota {dimensions = array<i32: 0>} : vector<16xi32>
      %add3A_146 = arith.constant 0 : i32
      %add3A_147 = vector.broadcast %add3A_146 : i32 to vector<16xi32>
      %add3A_148 = arith.addi %iota3A_145, %add3A_147 : vector<16xi32>
      %get3A = arith.constant 0 : index
      %get3A_149 = tpu.vector_load %arg17[%get3A] {strides = array<i32>} : memref<128xi32, #tpu.memory_space<vmem>>, vector<16xi32>,
      %lt3A_150 = arith.cmpi slt, %add3A_148, %broadcast_in_dim3A_133 : vector<16xi32>
      %select_n3A_151 = arith.select %lt3A_150, %get3A_149, %select_n3A_141 : vector<16xi1>, vector<16xi32>
      %min3A_152 = arith.constant 8191 : i32
      %min3A_153 = vector.broadcast %min3A_152 : i32 to vector<16xi32>
      %min3A_154 = arith.minsi %select_n3A_151, %min3A_153 : vector<16xi32>
      %swap3A = arith.index_cast %add3A_76 : i32 to index
      %swap3A_155 = arith.constant 0 : index
      %swap3A_156 = tpu.vector_load %arg18[%swap3A, %swap3A_155] {strides = array<i32>} : memref<64x32xi32, #tpu.memory_space<vmem>>, vector<16xi32>,
      tpu.vector_store %arg18[%swap3A, %swap3A_155], %select_n3A_151 {strides = array<i32>} : memref<64x32xi32, #tpu.memory_space<vmem>>, vector<16xi32>,
      %add3A_157 = arith.addi %min3A_154, %broadcast_in_dim3A_144 : vector<16xi32>
      %swap3A_158 = arith.index_cast %add3A_76 : i32 to index
      %swap3A_159 = arith.constant 0 : index
      %swap3A_160 = tpu.vector_load %arg19[%swap3A_158, %swap3A_159] {strides = array<i32>} : memref<64x32xi32, #tpu.memory_space<vmem>>, vector<16xi32>,
      tpu.vector_store %arg19[%swap3A_158, %swap3A_159], %add3A_157 {strides = array<i32>} : memref<64x32xi32, #tpu.memory_space<vmem>>, vector<16xi32>,
      %gather3A_161 = tpu.vector_load_idx %arg7[%broadcast_in_dim3A_79, %min3A_154] : memref<1x8192xf32, #tpu.memory_space<vmem>>[vector<16xi32>, vector<16xi32>], vector<16xf32>,
      %gather3A_162 = tpu.vector_load_idx %arg8[%broadcast_in_dim3A_79, %min3A_154] : memref<1x8192xf32, #tpu.memory_space<vmem>>[vector<16xi32>, vector<16xi32>], vector<16xf32>,
      %gather3A_163 = tpu.vector_load_idx %arg9[%broadcast_in_dim3A_79, %min3A_154] : memref<1x8192xf32, #tpu.memory_space<vmem>>[vector<16xi32>, vector<16xi32>], vector<16xf32>,
      %sub3A_164 = arith.subf %gather3A_161, %gather3A : vector<16xf32>
      %swap3A_165 = arith.index_cast %add3A_76 : i32 to index
      %swap3A_166 = arith.constant 0 : index
      %swap3A_167 = tpu.vector_load %arg20[%swap3A_165, %swap3A_166] {strides = array<i32>} : memref<64x96xf32, #tpu.memory_space<vmem>>, vector<16xf32>,
      tpu.vector_store %arg20[%swap3A_165, %swap3A_166], %sub3A_164 {strides = array<i32>} : memref<64x96xf32, #tpu.memory_space<vmem>>, vector<16xf32>,
      %sub3A_168 = arith.subf %gather3A_162, %gather3A_80 : vector<16xf32>
      %swap3A_169 = arith.index_cast %add3A_76 : i32 to index
      %swap3A_170 = arith.constant 32 : index
      %swap3A_171 = tpu.vector_load %arg20[%swap3A_169, %swap3A_170] {strides = array<i32>} : memref<64x96xf32, #tpu.memory_space<vmem>>, vector<16xf32>,
      tpu.vector_store %arg20[%swap3A_169, %swap3A_170], %sub3A_168 {strides = array<i32>} : memref<64x96xf32, #tpu.memory_space<vmem>>, vector<16xf32>,
      %sub3A_172 = arith.subf %gather3A_163, %gather3A_81 : vector<16xf32>
      %swap3A_173 = arith.index_cast %add3A_76 : i32 to index
      %swap3A_174 = arith.constant 64 : index
      %swap3A_175 = tpu.vector_load %arg20[%swap3A_173, %swap3A_174] {strides = array<i32>} : memref<64x96xf32, #tpu.memory_space<vmem>>, vector<16xf32>,
      tpu.vector_store %arg20[%swap3A_173, %swap3A_174], %sub3A_172 {strides = array<i32>} : memref<64x96xf32, #tpu.memory_space<vmem>>, vector<16xf32>,
      %iota3A_176 = tpu.iota {dimensions = array<i32: 0>} : vector<16xi32>
      %add3A_177 = arith.constant 16 : i32
      %add3A_178 = vector.broadcast %add3A_177 : i32 to vector<16xi32>
      %add3A_179 = arith.addi %iota3A_176, %add3A_178 : vector<16xi32>
      %get3A_180 = arith.constant 16 : index
      %get3A_181 = tpu.vector_load %arg17[%get3A_180] {strides = array<i32>} : memref<128xi32, #tpu.memory_space<vmem>>, vector<16xi32>,
      %lt3A_182 = arith.cmpi slt, %add3A_179, %broadcast_in_dim3A_133 : vector<16xi32>
      %select_n3A_183 = arith.select %lt3A_182, %get3A_181, %select_n3A_141 : vector<16xi1>, vector<16xi32>
      %min3A_184 = arith.constant 8191 : i32
      %min3A_185 = vector.broadcast %min3A_184 : i32 to vector<16xi32>
      %min3A_186 = arith.minsi %select_n3A_183, %min3A_185 : vector<16xi32>
      %swap3A_187 = arith.index_cast %add3A_76 : i32 to index
      %swap3A_188 = arith.constant 16 : index
      %swap3A_189 = tpu.vector_load %arg18[%swap3A_187, %swap3A_188] {strides = array<i32>} : memref<64x32xi32, #tpu.memory_space<vmem>>, vector<16xi32>,
      tpu.vector_store %arg18[%swap3A_187, %swap3A_188], %select_n3A_183 {strides = array<i32>} : memref<64x32xi32, #tpu.memory_space<vmem>>, vector<16xi32>,
      %add3A_190 = arith.addi %min3A_186, %broadcast_in_dim3A_144 : vector<16xi32>
      %swap3A_191 = arith.index_cast %add3A_76 : i32 to index
      %swap3A_192 = arith.constant 16 : index
      %swap3A_193 = tpu.vector_load %arg19[%swap3A_191, %swap3A_192] {strides = array<i32>} : memref<64x32xi32, #tpu.memory_space<vmem>>, vector<16xi32>,
      tpu.vector_store %arg19[%swap3A_191, %swap3A_192], %add3A_190 {strides = array<i32>} : memref<64x32xi32, #tpu.memory_space<vmem>>, vector<16xi32>,
      %gather3A_194 = tpu.vector_load_idx %arg7[%broadcast_in_dim3A_79, %min3A_186] : memref<1x8192xf32, #tpu.memory_space<vmem>>[vector<16xi32>, vector<16xi32>], vector<16xf32>,
      %gather3A_195 = tpu.vector_load_idx %arg8[%broadcast_in_dim3A_79, %min3A_186] : memref<1x8192xf32, #tpu.memory_space<vmem>>[vector<16xi32>, vector<16xi32>], vector<16xf32>,
      %gather3A_196 = tpu.vector_load_idx %arg9[%broadcast_in_dim3A_79, %min3A_186] : memref<1x8192xf32, #tpu.memory_space<vmem>>[vector<16xi32>, vector<16xi32>], vector<16xf32>,
      %sub3A_197 = arith.subf %gather3A_194, %gather3A : vector<16xf32>
      %swap3A_198 = arith.index_cast %add3A_76 : i32 to index
      %swap3A_199 = arith.constant 16 : index
      %swap3A_200 = tpu.vector_load %arg20[%swap3A_198, %swap3A_199] {strides = array<i32>} : memref<64x96xf32, #tpu.memory_space<vmem>>, vector<16xf32>,
      tpu.vector_store %arg20[%swap3A_198, %swap3A_199], %sub3A_197 {strides = array<i32>} : memref<64x96xf32, #tpu.memory_space<vmem>>, vector<16xf32>,
      %sub3A_201 = arith.subf %gather3A_195, %gather3A_80 : vector<16xf32>
      %swap3A_202 = arith.index_cast %add3A_76 : i32 to index
      %swap3A_203 = arith.constant 48 : index
      %swap3A_204 = tpu.vector_load %arg20[%swap3A_202, %swap3A_203] {strides = array<i32>} : memref<64x96xf32, #tpu.memory_space<vmem>>, vector<16xf32>,
      tpu.vector_store %arg20[%swap3A_202, %swap3A_203], %sub3A_201 {strides = array<i32>} : memref<64x96xf32, #tpu.memory_space<vmem>>, vector<16xf32>,
      %sub3A_205 = arith.subf %gather3A_196, %gather3A_81 : vector<16xf32>
      %swap3A_206 = arith.index_cast %add3A_76 : i32 to index
      %swap3A_207 = arith.constant 80 : index
      %swap3A_208 = tpu.vector_load %arg20[%swap3A_206, %swap3A_207] {strides = array<i32>} : memref<64x96xf32, #tpu.memory_space<vmem>>, vector<16xf32>,
      tpu.vector_store %arg20[%swap3A_206, %swap3A_207], %sub3A_205 {strides = array<i32>} : memref<64x96xf32, #tpu.memory_space<vmem>>, vector<16xf32>,
    }
    %scan3A_65 = arith.constant 64 : i32
    "tpu.region"() ({
      %run_scoped3A = tpu.sem_alloc : memref<!tpu.dma_semaphore, #tpu.memory_space<semaphore_mem>>
      %dma_start3A = arith.constant 0 : i32
      %dma_start3A_72 = tpu.memref_slice %arg4[%select_n3A, %mul3A_32, %dma_start3A] : memref<4x512x32xi32, #tpu.memory_space<hbm>> -> memref<1x64x32xi32, #tpu.memory_space<hbm>>
      %dma_start3A_73 = tpu.memref_squeeze %dma_start3A_72 : memref<1x64x32xi32, #tpu.memory_space<hbm>> -> memref<64x32xi32, #tpu.memory_space<hbm>>
      %dma_start3A_74 = arith.constant 0 : i32
      %dma_start3A_75 = tpu.memref_slice %arg4[%select_n3A, %mul3A_32, %dma_start3A_74] : memref<4x512x32xi32, #tpu.memory_space<hbm>> -> memref<1x64x32xi32, #tpu.memory_space<hbm>>
      %dma_start3A_76 = tpu.memref_squeeze %dma_start3A_75 : memref<1x64x32xi32, #tpu.memory_space<hbm>> -> memref<64x32xi32, #tpu.memory_space<hbm>>
      tpu.enqueue_dma source(%arg18 : memref<64x32xi32, #tpu.memory_space<vmem>>) target(%dma_start3A_76 : memref<64x32xi32, #tpu.memory_space<hbm>>) target_semaphore(%run_scoped3A : memref<!tpu.dma_semaphore, #tpu.memory_space<semaphore_mem>>)
      %dma_wait3A = arith.constant 0 : i32
      %dma_wait3A_77 = tpu.memref_slice %arg4[%select_n3A, %mul3A_32, %dma_wait3A] : memref<4x512x32xi32, #tpu.memory_space<hbm>> -> memref<1x64x32xi32, #tpu.memory_space<hbm>>
      %dma_wait3A_78 = tpu.memref_squeeze %dma_wait3A_77 : memref<1x64x32xi32, #tpu.memory_space<hbm>> -> memref<64x32xi32, #tpu.memory_space<hbm>>
      %dma_wait3A_79 = arith.constant 0 : i32
      %dma_wait3A_80 = tpu.memref_slice %arg4[%select_n3A, %mul3A_32, %dma_wait3A_79] : memref<4x512x32xi32, #tpu.memory_space<hbm>> -> memref<1x64x32xi32, #tpu.memory_space<hbm>>
      %dma_wait3A_81 = tpu.memref_squeeze %dma_wait3A_80 : memref<1x64x32xi32, #tpu.memory_space<hbm>> -> memref<64x32xi32, #tpu.memory_space<hbm>>
      tpu.wait_dma2 semaphore(%run_scoped3A : memref<!tpu.dma_semaphore, #tpu.memory_space<semaphore_mem>>) src(%arg18 : memref<64x32xi32, #tpu.memory_space<vmem>>) dst(%dma_wait3A_81 : memref<64x32xi32, #tpu.memory_space<hbm>>)
      tpu.yield
    }) : () -> ()
    %mul3A_66 = arith.constant 512 : i32
    %mul3A_67 = arith.muli %select_n3A, %mul3A_66 : i32
    %add3A_68 = arith.addi %mul3A_67, %mul3A_32 : i32
    "tpu.region"() ({
      %run_scoped3A = tpu.sem_alloc : memref<!tpu.dma_semaphore, #tpu.memory_space<semaphore_mem>>
      %dma_start3A = arith.constant 0 : i32
      %dma_start3A_72 = tpu.memref_slice %arg5[%add3A_68, %dma_start3A] : memref<2048x32xi32, #tpu.memory_space<hbm>> -> memref<64x32xi32, #tpu.memory_space<hbm>>
      %dma_start3A_73 = arith.constant 0 : i32
      %dma_start3A_74 = tpu.memref_slice %arg5[%add3A_68, %dma_start3A_73] : memref<2048x32xi32, #tpu.memory_space<hbm>> -> memref<64x32xi32, #tpu.memory_space<hbm>>
      tpu.enqueue_dma source(%arg19 : memref<64x32xi32, #tpu.memory_space<vmem>>) target(%dma_start3A_74 : memref<64x32xi32, #tpu.memory_space<hbm>>) target_semaphore(%run_scoped3A : memref<!tpu.dma_semaphore, #tpu.memory_space<semaphore_mem>>)
      %dma_wait3A = arith.constant 0 : i32
      %dma_wait3A_75 = tpu.memref_slice %arg5[%add3A_68, %dma_wait3A] : memref<2048x32xi32, #tpu.memory_space<hbm>> -> memref<64x32xi32, #tpu.memory_space<hbm>>
      %dma_wait3A_76 = arith.constant 0 : i32
      %dma_wait3A_77 = tpu.memref_slice %arg5[%add3A_68, %dma_wait3A_76] : memref<2048x32xi32, #tpu.memory_space<hbm>> -> memref<64x32xi32, #tpu.memory_space<hbm>>
      tpu.wait_dma2 semaphore(%run_scoped3A : memref<!tpu.dma_semaphore, #tpu.memory_space<semaphore_mem>>) src(%arg19 : memref<64x32xi32, #tpu.memory_space<vmem>>) dst(%dma_wait3A_77 : memref<64x32xi32, #tpu.memory_space<hbm>>)
      tpu.yield
    }) : () -> ()
    %mul3A_69 = arith.constant 512 : i32
    %mul3A_70 = arith.muli %select_n3A, %mul3A_69 : i32
    %add3A_71 = arith.addi %mul3A_70, %mul3A_32 : i32
    "tpu.region"() ({
      %run_scoped3A = tpu.sem_alloc : memref<!tpu.dma_semaphore, #tpu.memory_space<semaphore_mem>>
      %dma_start3A = arith.constant 0 : i32
      %dma_start3A_72 = tpu.memref_slice %arg6[%add3A_71, %dma_start3A] : memref<2048x96xf32, #tpu.memory_space<hbm>> -> memref<64x96xf32, #tpu.memory_space<hbm>>
      %dma_start3A_73 = arith.constant 0 : i32
      %dma_start3A_74 = tpu.memref_slice %arg6[%add3A_71, %dma_start3A_73] : memref<2048x96xf32, #tpu.memory_space<hbm>> -> memref<64x96xf32, #tpu.memory_space<hbm>>
      tpu.enqueue_dma source(%arg20 : memref<64x96xf32, #tpu.memory_space<vmem>>) target(%dma_start3A_74 : memref<64x96xf32, #tpu.memory_space<hbm>>) target_semaphore(%run_scoped3A : memref<!tpu.dma_semaphore, #tpu.memory_space<semaphore_mem>>)
      %dma_wait3A = arith.constant 0 : i32
      %dma_wait3A_75 = tpu.memref_slice %arg6[%add3A_71, %dma_wait3A] : memref<2048x96xf32, #tpu.memory_space<hbm>> -> memref<64x96xf32, #tpu.memory_space<hbm>>
      %dma_wait3A_76 = arith.constant 0 : i32
      %dma_wait3A_77 = tpu.memref_slice %arg6[%add3A_71, %dma_wait3A_76] : memref<2048x96xf32, #tpu.memory_space<hbm>> -> memref<64x96xf32, #tpu.memory_space<hbm>>
      tpu.wait_dma2 semaphore(%run_scoped3A : memref<!tpu.dma_semaphore, #tpu.memory_space<semaphore_mem>>) src(%arg20 : memref<64x96xf32, #tpu.memory_space<vmem>>) dst(%dma_wait3A_77 : memref<64x96xf32, #tpu.memory_space<hbm>>)
      tpu.yield
    }) : () -> ()
    return
  }
}

module attributes {stable_mosaic.version = 14 : i64} {
  func.func @_mlp_body(%arg0: i32, %arg1: memref<4096x128xf32, #tpu.memory_space<vmem>>, %arg2: memref<4096x3xf32, #tpu.memory_space<vmem>>, %arg3: memref<128x256xf32, #tpu.memory_space<vmem>>, %arg4: memref<27x256xf32, #tpu.memory_space<vmem>>, %arg5: memref<1x256xf32, #tpu.memory_space<vmem>>, %arg6: memref<256x256xf32, #tpu.memory_space<vmem>>, %arg7: memref<1x256xf32, #tpu.memory_space<vmem>>, %arg8: memref<128x256xf32, #tpu.memory_space<vmem>>) attributes {dimension_semantics = [#tpu.dimension_semantics<arbitrary>], iteration_bounds = array<i64: 16>, scalar_prefetch = 0 : i64, scratch_operands = 0 : i64, tpu.core_type = #tpu.core_type<tc>, window_params = [{transform_indices = @transform_0, window_bounds = array<i64: 4096, 128>}, {transform_indices = @transform_1, window_bounds = array<i64: 4096, 3>}, {pipeline_mode = #tpu.pipeline_mode<synchronous>, transform_indices = @transform_2, window_bounds = array<i64: 128, 256>}, {pipeline_mode = #tpu.pipeline_mode<synchronous>, transform_indices = @transform_3, window_bounds = array<i64: 27, 256>}, {pipeline_mode = #tpu.pipeline_mode<synchronous>, transform_indices = @transform_4, window_bounds = array<i64: 1, 256>}, {pipeline_mode = #tpu.pipeline_mode<synchronous>, transform_indices = @transform_5, window_bounds = array<i64: 256, 256>}, {pipeline_mode = #tpu.pipeline_mode<synchronous>, transform_indices = @transform_6, window_bounds = array<i64: 1, 256>}, {transform_indices = @transform_7, window_bounds = array<i64: 128, 256>}]} {
    %get3A = arith.constant 0 : index
    %get3A_0 = arith.constant 0 : index
    %get3A_1 = vector.load %arg1[%get3A, %get3A_0] : memref<4096x128xf32, #tpu.memory_space<vmem>>, vector<4096x128xf32>
    %get3A_2 = arith.constant 0 : index
    %get3A_3 = arith.constant 0 : index
    %get3A_4 = vector.load %arg2[%get3A_2, %get3A_3] : memref<4096x3xf32, #tpu.memory_space<vmem>>, vector<4096x3xf32>
    %iota3A = tpu.iota {dimensions = array<i32: 1>} : vector<1x4xi32>
    %convert_element_type3A = arith.sitofp %iota3A : vector<1x4xi32> to vector<1x4xf32>
    %exp23A = math.exp2 %convert_element_type3A : vector<1x4xf32>
    %slice3A = vector.extract_strided_slice %get3A_4 {offsets = [0, 0], sizes = [4096, 1], strides = [1, 1]} : vector<4096x3xf32> to vector<4096x1xf32>
    %mul3A = vector.broadcast %slice3A : vector<4096x1xf32> to vector<4096x4xf32>
    %mul3A_5 = vector.broadcast %exp23A : vector<1x4xf32> to vector<4096x4xf32>
    %mul3A_6 = arith.mulf %mul3A, %mul3A_5 : vector<4096x4xf32>
    %slice3A_7 = vector.extract_strided_slice %get3A_4 {offsets = [0, 1], sizes = [4096, 1], strides = [1, 1]} : vector<4096x3xf32> to vector<4096x1xf32>
    %mul3A_8 = vector.broadcast %slice3A_7 : vector<4096x1xf32> to vector<4096x4xf32>
    %mul3A_9 = vector.broadcast %exp23A : vector<1x4xf32> to vector<4096x4xf32>
    %mul3A_10 = arith.mulf %mul3A_8, %mul3A_9 : vector<4096x4xf32>
    %slice3A_11 = vector.extract_strided_slice %get3A_4 {offsets = [0, 2], sizes = [4096, 1], strides = [1, 1]} : vector<4096x3xf32> to vector<4096x1xf32>
    %mul3A_12 = vector.broadcast %slice3A_11 : vector<4096x1xf32> to vector<4096x4xf32>
    %mul3A_13 = vector.broadcast %exp23A : vector<1x4xf32> to vector<4096x4xf32>
    %mul3A_14 = arith.mulf %mul3A_12, %mul3A_13 : vector<4096x4xf32>
    %concatenate3A = tpu.concatenate %mul3A_6, %mul3A_10, %mul3A_14 in 1 : vector<4096x4xf32>, vector<4096x4xf32>, vector<4096x4xf32> -> vector<4096x12xf32>
    %add3A = arith.constant 5.000000e-01 : f32
    %add3A_15 = vector.broadcast %add3A : f32 to vector<4096x12xf32>
    %add3A_16 = arith.addf %concatenate3A, %add3A_15 : vector<4096x12xf32>
    %floor3A = math.floor %add3A_16 : vector<4096x12xf32>
    %sub3A = arith.subf %concatenate3A, %floor3A : vector<4096x12xf32>
    %mul3A_17 = arith.mulf %sub3A, %sub3A : vector<4096x12xf32>
    %mul3A_18 = arith.constant 0.0774468779 : f32
    %mul3A_19 = vector.broadcast %mul3A_18 : f32 to vector<4096x12xf32>
    %mul3A_20 = arith.mulf %mul3A_19, %mul3A_17 : vector<4096x12xf32>
    %add3A_21 = arith.constant -0.598161459 : f32
    %add3A_22 = vector.broadcast %add3A_21 : f32 to vector<4096x12xf32>
    %add3A_23 = arith.addf %mul3A_20, %add3A_22 : vector<4096x12xf32>
    %mul3A_24 = arith.mulf %add3A_23, %mul3A_17 : vector<4096x12xf32>
    %add3A_25 = arith.constant 2.55005097 : f32
    %add3A_26 = vector.broadcast %add3A_25 : f32 to vector<4096x12xf32>
    %add3A_27 = arith.addf %mul3A_24, %add3A_26 : vector<4096x12xf32>
    %mul3A_28 = arith.mulf %add3A_27, %mul3A_17 : vector<4096x12xf32>
    %add3A_29 = arith.constant -5.16770792 : f32
    %add3A_30 = vector.broadcast %add3A_29 : f32 to vector<4096x12xf32>
    %add3A_31 = arith.addf %mul3A_28, %add3A_30 : vector<4096x12xf32>
    %mul3A_32 = arith.mulf %add3A_31, %mul3A_17 : vector<4096x12xf32>
    %add3A_33 = arith.constant 3.1415925 : f32
    %add3A_34 = vector.broadcast %add3A_33 : f32 to vector<4096x12xf32>
    %add3A_35 = arith.addf %mul3A_32, %add3A_34 : vector<4096x12xf32>
    %mul3A_36 = arith.mulf %add3A_35, %sub3A : vector<4096x12xf32>
    %mul3A_37 = arith.constant -0.0244561397 : f32
    %mul3A_38 = vector.broadcast %mul3A_37 : f32 to vector<4096x12xf32>
    %mul3A_39 = arith.mulf %mul3A_38, %mul3A_17 : vector<4096x12xf32>
    %add3A_40 = arith.constant 0.234971762 : f32
    %add3A_41 = vector.broadcast %add3A_40 : f32 to vector<4096x12xf32>
    %add3A_42 = arith.addf %mul3A_39, %add3A_41 : vector<4096x12xf32>
    %mul3A_43 = arith.mulf %add3A_42, %mul3A_17 : vector<4096x12xf32>
    %add3A_44 = arith.constant -1.33521891 : f32
    %add3A_45 = vector.broadcast %add3A_44 : f32 to vector<4096x12xf32>
    %add3A_46 = arith.addf %mul3A_43, %add3A_45 : vector<4096x12xf32>
    %mul3A_47 = arith.mulf %add3A_46, %mul3A_17 : vector<4096x12xf32>
    %add3A_48 = arith.constant 4.05870962 : f32
    %add3A_49 = vector.broadcast %add3A_48 : f32 to vector<4096x12xf32>
    %add3A_50 = arith.addf %mul3A_47, %add3A_49 : vector<4096x12xf32>
    %mul3A_51 = arith.mulf %add3A_50, %mul3A_17 : vector<4096x12xf32>
    %add3A_52 = arith.constant -4.93480206 : f32
    %add3A_53 = vector.broadcast %add3A_52 : f32 to vector<4096x12xf32>
    %add3A_54 = arith.addf %mul3A_51, %add3A_53 : vector<4096x12xf32>
    %mul3A_55 = arith.mulf %add3A_54, %mul3A_17 : vector<4096x12xf32>
    %add3A_56 = arith.constant 1.000000e+00 : f32
    %add3A_57 = vector.broadcast %add3A_56 : f32 to vector<4096x12xf32>
    %add3A_58 = arith.addf %mul3A_55, %add3A_57 : vector<4096x12xf32>
    %convert_element_type3A_59 = arith.fptosi %floor3A : vector<4096x12xf32> to vector<4096x12xi32>
    %and3A = arith.constant 1 : i32
    %and3A_60 = vector.broadcast %and3A : i32 to vector<4096x12xi32>
    %and3A_61 = arith.andi %convert_element_type3A_59, %and3A_60 : vector<4096x12xi32>
    %eq3A = arith.constant 1 : i32
    %eq3A_62 = vector.broadcast %eq3A : i32 to vector<4096x12xi32>
    %eq3A_63 = arith.cmpi eq, %and3A_61, %eq3A_62 : vector<4096x12xi32>
    %jit3A = arith.constant -1.000000e+00 : f32
    %jit3A_64 = arith.constant 1.000000e+00 : f32
    %broadcast_in_dim3A = vector.broadcast %jit3A : f32 to vector<4096x12xf32>
    %broadcast_in_dim3A_65 = vector.broadcast %jit3A_64 : f32 to vector<4096x12xf32>
    %select_n3A = arith.select %eq3A_63, %broadcast_in_dim3A, %broadcast_in_dim3A_65 : vector<4096x12xi1>, vector<4096x12xf32>
    %mul3A_66 = arith.mulf %mul3A_36, %select_n3A : vector<4096x12xf32>
    %mul3A_67 = arith.mulf %add3A_58, %select_n3A : vector<4096x12xf32>
    %slice3A_68 = vector.extract_strided_slice %mul3A_66 {offsets = [0, 0], sizes = [4096, 4], strides = [1, 1]} : vector<4096x12xf32> to vector<4096x4xf32>
    %slice3A_69 = vector.extract_strided_slice %mul3A_67 {offsets = [0, 0], sizes = [4096, 4], strides = [1, 1]} : vector<4096x12xf32> to vector<4096x4xf32>
    %slice3A_70 = vector.extract_strided_slice %mul3A_66 {offsets = [0, 4], sizes = [4096, 4], strides = [1, 1]} : vector<4096x12xf32> to vector<4096x4xf32>
    %slice3A_71 = vector.extract_strided_slice %mul3A_67 {offsets = [0, 4], sizes = [4096, 4], strides = [1, 1]} : vector<4096x12xf32> to vector<4096x4xf32>
    %slice3A_72 = vector.extract_strided_slice %mul3A_66 {offsets = [0, 8], sizes = [4096, 4], strides = [1, 1]} : vector<4096x12xf32> to vector<4096x4xf32>
    %slice3A_73 = vector.extract_strided_slice %mul3A_67 {offsets = [0, 8], sizes = [4096, 4], strides = [1, 1]} : vector<4096x12xf32> to vector<4096x4xf32>
    %concatenate3A_74 = tpu.concatenate %slice3A_68, %slice3A_69, %slice3A_70, %slice3A_71, %slice3A_72, %slice3A_73, %get3A_4 in 1 : vector<4096x4xf32>, vector<4096x4xf32>, vector<4096x4xf32>, vector<4096x4xf32>, vector<4096x4xf32>, vector<4096x4xf32>, vector<4096x3xf32> -> vector<4096x27xf32>
    %get3A_75 = arith.constant 0 : index
    %get3A_76 = arith.constant 0 : index
    %get3A_77 = vector.load %arg3[%get3A_75, %get3A_76] : memref<128x256xf32, #tpu.memory_space<vmem>>, vector<128x256xf32>
    %dot_general3A = arith.constant dense<0.000000e+00> : vector<4096x256xf32>
    %dot_general3A_78 = tpu.matmul %get3A_1, %get3A_77, %dot_general3A {dimension_numbers = #tpu.dot_dimension_numbers<[1], [0], [0], [1], [0, 0, 1, 1], [], []>, transpose_lhs_hint = false} : vector<4096x128xf32>, vector<128x256xf32>, vector<4096x256xf32> -> vector<4096x256xf32>
    %get3A_79 = arith.constant 0 : index
    %get3A_80 = arith.constant 0 : index
    %get3A_81 = vector.load %arg4[%get3A_79, %get3A_80] : memref<27x256xf32, #tpu.memory_space<vmem>>, vector<27x256xf32>
    %dot_general3A_82 = arith.constant dense<0.000000e+00> : vector<4096x256xf32>
    %dot_general3A_83 = tpu.matmul %concatenate3A_74, %get3A_81, %dot_general3A_82 {dimension_numbers = #tpu.dot_dimension_numbers<[1], [0], [0], [1], [0, 0, 1, 1], [], []>, transpose_lhs_hint = false} : vector<4096x27xf32>, vector<27x256xf32>, vector<4096x256xf32> -> vector<4096x256xf32>
    %add3A_84 = arith.addf %dot_general3A_78, %dot_general3A_83 : vector<4096x256xf32>
    %get3A_85 = arith.constant 0 : index
    %get3A_86 = arith.constant 0 : index
    %get3A_87 = vector.load %arg5[%get3A_85, %get3A_86] : memref<1x256xf32, #tpu.memory_space<vmem>>, vector<1x256xf32>
    %add3A_88 = vector.broadcast %get3A_87 : vector<1x256xf32> to vector<4096x256xf32>
    %add3A_89 = arith.addf %add3A_84, %add3A_88 : vector<4096x256xf32>
    %max3A = arith.constant 0.000000e+00 : f32
    %max3A_90 = vector.broadcast %max3A : f32 to vector<4096x256xf32>
    %max3A_91 = arith.maximumf %add3A_89, %max3A_90 : vector<4096x256xf32>
    %get3A_92 = arith.constant 0 : index
    %get3A_93 = arith.constant 0 : index
    %get3A_94 = vector.load %arg6[%get3A_92, %get3A_93] : memref<256x256xf32, #tpu.memory_space<vmem>>, vector<256x256xf32>
    %dot_general3A_95 = arith.constant dense<0.000000e+00> : vector<4096x256xf32>
    %dot_general3A_96 = tpu.matmul %max3A_91, %get3A_94, %dot_general3A_95 {dimension_numbers = #tpu.dot_dimension_numbers<[1], [0], [0], [1], [0, 0, 1, 1], [], []>, transpose_lhs_hint = false} : vector<4096x256xf32>, vector<256x256xf32>, vector<4096x256xf32> -> vector<4096x256xf32>
    %get3A_97 = arith.constant 0 : index
    %get3A_98 = arith.constant 0 : index
    %get3A_99 = vector.load %arg7[%get3A_97, %get3A_98] : memref<1x256xf32, #tpu.memory_space<vmem>>, vector<1x256xf32>
    %add3A_100 = vector.broadcast %get3A_99 : vector<1x256xf32> to vector<4096x256xf32>
    %add3A_101 = arith.addf %dot_general3A_96, %add3A_100 : vector<4096x256xf32>
    %reshape3A = vector.shape_cast %add3A_101 : vector<4096x256xf32> to vector<128x32x256xf32>
    %reduce_max3A = arith.constant dense<0xFF800000> : vector<128x256xf32>
    %reduce_max3A_102 = vector.multi_reduction <maximumf>, %reshape3A, %reduce_max3A [1] : vector<128x32x256xf32> to vector<128x256xf32>
    %swap3A = arith.constant 0 : index
    %swap3A_103 = arith.constant 0 : index
    %swap3A_104 = vector.load %arg8[%swap3A, %swap3A_103] : memref<128x256xf32, #tpu.memory_space<vmem>>, vector<128x256xf32>
    tpu.vector_store %arg8[%swap3A, %swap3A_103], %reduce_max3A_102 {strides = array<i32>} : memref<128x256xf32, #tpu.memory_space<vmem>>, vector<128x256xf32>,
    return
  }
  func.func @transform_0(%arg0: i32) -> (i32, i32) {
    %c0_i32 = arith.constant 0 : i32
    %c0_i32_0 = arith.constant 0 : i32
    return %arg0, %c0_i32 : i32, i32
  }
  func.func @transform_1(%arg0: i32) -> (i32, i32) {
    %c0_i32 = arith.constant 0 : i32
    %c0_i32_0 = arith.constant 0 : i32
    return %arg0, %c0_i32 : i32, i32
  }
  func.func @transform_2(%arg0: i32) -> (i32, i32) {
    %c0_i32 = arith.constant 0 : i32
    %c0_i32_0 = arith.constant 0 : i32
    %c0_i32_1 = arith.constant 0 : i32
    return %c0_i32, %c0_i32_0 : i32, i32
  }
  func.func @transform_3(%arg0: i32) -> (i32, i32) {
    %c0_i32 = arith.constant 0 : i32
    %c0_i32_0 = arith.constant 0 : i32
    %c0_i32_1 = arith.constant 0 : i32
    return %c0_i32, %c0_i32_0 : i32, i32
  }
  func.func @transform_4(%arg0: i32) -> (i32, i32) {
    %c0_i32 = arith.constant 0 : i32
    %c0_i32_0 = arith.constant 0 : i32
    %c0_i32_1 = arith.constant 0 : i32
    return %c0_i32, %c0_i32_0 : i32, i32
  }
  func.func @transform_5(%arg0: i32) -> (i32, i32) {
    %c0_i32 = arith.constant 0 : i32
    %c0_i32_0 = arith.constant 0 : i32
    %c0_i32_1 = arith.constant 0 : i32
    return %c0_i32, %c0_i32_0 : i32, i32
  }
  func.func @transform_6(%arg0: i32) -> (i32, i32) {
    %c0_i32 = arith.constant 0 : i32
    %c0_i32_0 = arith.constant 0 : i32
    %c0_i32_1 = arith.constant 0 : i32
    return %c0_i32, %c0_i32_0 : i32, i32
  }
  func.func @transform_7(%arg0: i32) -> (i32, i32) {
    %c0_i32 = arith.constant 0 : i32
    %c0_i32_0 = arith.constant 0 : i32
    return %arg0, %c0_i32 : i32, i32
  }
}

</mosaic_0001>

<sc_bundles>
// kernel: kernel.5.cloned.1.call-start
scs
__scs_entry_jumppad:
0x0: {  	(pc) =	sbr.rel $0x88, $3  }
0x1: {  	(tag) =	ssettag $0x0;
	lr =	simm.s32 $0x1  }
0x2: {  	[smem:$0x3F9A] =	sst lr;
	_ =	strace $0xD0000000  }
0x3: {  	_ = 	snop  }
0x4: {  	_ = 	snop  }
0x5: {  	_ = 	snop  }
0x6: {  	_ = 	snop  }
0x7: {  	_ = 	snop  }
__scs_overlays_trampoline_lowered:
0x8: {  	[smem:$0x3FA9] =	sst s0  }
0x9: {  	[smem:$0x3FAA] =	sst s1  }
0xa: {  	[smem:$0x3FAB] =	sst s2  }
0xb: {  	[smem:$0x3FAC] =	sst s3  }
0xc: {  	[smem:$0x3FAD] =	sst s4  }
0xd: {  	[smem:$0x3FAE] =	sst s5  }
0xe: {  	[smem:$0x3FAF] =	sst s6  }
0xf: {  	[smem:$0x3FB0] =	sst s7  }
0x10: {  	[smem:$0x3FB1] =	sst s8  }
0x11: {  	[smem:$0x3FB2] =	sst s9;
	s0 =	simm.s32 @!p0 $0x0  }
0x12: {  	s1 =	sld [smem:$0x3F98];
	s0 =	simm.s32 @p0 $0x1  }
0x13: {  	[smem:$0x3FB3] =	sst s0;
	s0 =	simm.s32 @!p1 $0x0  }
0x14: {  	s2 =	sld [smem:$0x3F97];
	s0 =	simm.s32 @p1 $0x1  }
0x15: {  	[smem:$0x3FB4] =	sst s0;
	s0 =	simm.s32 @!p2 $0x0  }
0x16: {  	s3 =	sld [smem:$0x3FDB];
	s0 =	simm.s32 @p2 $0x1  }
0x17: {  	s4 =	simm.s32 $0x1BF5;
	[smem:$0x3FB6] =	sst s0  }
0x18: {  	s0 =	sld [smem:$0x3F99];
	_ =	swait.ge [sflag:s4], $0x0  }
0x19: {  	s7 =	sld [smem:$0x3F9A]  }
0x1a: {  	s8 =	sadd.s32 $0xFFFFE003, lr  }
0x1b: {  	s9 =	sadd.s32 $0xFFFFFEF7, lr;
	s5 =	simm.s32 $0xFFFFFFFF;
	p2 =	slt.u32 s8, $0xFFFFF086  }
0x1c: {  	p1 =	slt.u32 s9, $0xF7A;
	s5 =	simm.s32 @!p2 $0x0  }
0x1d: {  	s5 =	simm.s32 @p1 $0x1;
	p0 =	seq.s32 s7, s2  }
0x1e: {  	s7 =	smul.u32 @!p0 $0xF7A, s2;
	p2 =	seq.s32 @!p0 s5, $0x0  }
0x1f: {  	s9 =	smul.u32 $0xF7A, s1;
	s8 =	simm.s32 @!p0 $0x1BF5;
	p2 =	por !p2, p0  }
0x20: {  	[sflag:s8] =	ssyncset.s32 @!p0 $0xFFFFF086;
	s6 =	sadd.s32 @!p0 s3, s7;
	s7 =	simm.s32 @!p0 $0x108  }
0x21: {  	s3 =	sadd.s32 s3, s9;
	s6 =	sadd.s32 @!p0 $0x88, s6;
	s7 =	simm.s32 @p2 $0x1082  }
0x22: {  	[simem:s7], [sflag:s8] =	dma.local @!p0 [hbm:s6], $0xF7A  }
0x23: {  	s9 =	sor.u32 $0xD0000000, s2;
	s6 =	simm.s32 $0x108;
	_ =	swait.ge @!p0 [sflag:s8], $0x0  }
0x24: {  	s3 =	sadd.s32 $0x88, s3;
	s6 =	simm.s32 @!p1 $0x1082;
	[sflag:s4] =	ssyncset.s32 $0xFFFFF086  }
0x25: {  	[simem:s6], [sflag:s4] =	dma.local [hbm:s3], $0xF7A  }
0x26: {  	[smem:$0x3F9A] =	sst s1;
	(tag) =	ssettag s2;
	_ =	strace s9  }
0x27: {  	s1 =	sld [smem:$0x3FAA]  }
0x28: {  	s2 =	sld [smem:$0x3FAB]  }
0x29: {  	s4 =	sld [smem:$0x3FAD]  }
0x2a: {  	p0 =	seq.s32 s5, $0x0;
	s5 =	sld [smem:$0x3FAE]  }
0x2b: {  	s6 =	sld [smem:$0x3FAF]  }
0x2c: {  	s7 =	sld [smem:$0x3FB0]  }
0x2d: {  	s3 =	simm.s32 $0x108;
	s8 =	sld [smem:$0x3FB1]  }
0x2e: {  	s3 =	simm.s32 @!p0 $0x1082;
	s9 =	sld [smem:$0x3FB2]  }
0x2f: {  	lr =	sadd.s32 s0, s3;
	s0 =	sld [smem:$0x3FA9]  }
0x30: {  	s3 =	sld [smem:$0x3FAC]  }
0x31: {  	[smem:$0x3FB5] =	sst s10  }
0x32: {  	s10 =	sld [smem:$0x3FB3];
	_ =	sdelay $0x3  }
0x33: {  	p0 =	seq.s32 s10, $0x1;
	s10 =	sld [smem:$0x3FB5];
	_ =	sdelay $0x3  }
0x34: {  	[smem:$0x3FB5] =	sst s10  }
0x35: {  	s10 =	sld [smem:$0x3FB4];
	_ =	sdelay $0x3  }
0x36: {  	p1 =	seq.s32 s10, $0x1;
	s10 =	sld [smem:$0x3FB5];
	_ =	sdelay $0x3  }
0x37: {  	[smem:$0x3FB5] =	sst s10  }
0x38: {  	s10 =	sld [smem:$0x3FB6]  }
0x39: {  	_ = 	snop;
	(pc) =	sbr.ind lr, $3  }
0x3a: {  	_ = 	snop  }
0x3b: {  	_ = 	snop  }
0x3c: {  	p2 =	seq.s32 s10, $0x1;
	s10 =	sld [smem:$0x3FB5]  }
0x3d: {  	_ =	shalt  }
0x3e: {  	_ =	shalt  }
0x3f: {  	_ =	shalt  }
0x40: {  	_ =	shalt  }
0x41: {  	_ =	shalt  }
0x42: {  	_ =	shalt  }
0x43: {  	_ =	shalt  }
0x44: {  	_ =	shalt  }
0x45: {  	_ =	shalt  }
0x46: {  	_ =	shalt  }
0x47: {  	_ =	shalt  }
0x48: {  	_ =	shalt  }
0x49: {  	_ =	shalt  }
0x4a: {  	_ =	shalt  }
0x4b: {  	_ =	shalt  }
0x4c: {  	_ =	shalt  }
0x4d: {  	_ =	shalt  }
0x4e: {  	_ =	shalt  }
0x4f: {  	_ =	shalt  }
0x50: {  	_ =	shalt  }
0x51: {  	_ =	shalt  }
0x52: {  	_ =	shalt  }
0x53: {  	_ =	shalt  }
0x54: {  	_ =	shalt  }
0x55: {  	_ =	shalt  }
0x56: {  	_ =	shalt  }
0x57: {  	_ =	shalt  }
0x58: {  	_ =	shalt  }
0x59: {  	_ =	shalt  }
0x5a: {  	_ =	shalt  }
0x5b: {  	_ =	shalt  }
0x5c: {  	_ =	shalt  }
0x5d: {  	_ =	shalt  }
0x5e: {  	_ =	shalt  }
0x5f: {  	_ =	shalt  }
0x60: {  	_ =	shalt  }
0x61: {  	_ =	shalt  }
0x62: {  	_ =	shalt  }
0x63: {  	_ =	shalt  }
0x64: {  	_ =	shalt  }
0x65: {  	_ =	shalt  }
0x66: {  	_ =	shalt  }
0x67: {  	_ =	shalt  }
0x68: {  	_ =	shalt  }
0x69: {  	_ =	shalt  }
0x6a: {  	_ =	shalt  }
0x6b: {  	_ =	shalt  }
0x6c: {  	_ =	shalt  }
0x6d: {  	_ =	shalt  }
0x6e: {  	_ =	shalt  }
0x6f: {  	_ =	shalt  }
0x70: {  	_ =	shalt  }
0x71: {  	_ =	shalt  }
0x72: {  	_ =	shalt  }
0x73: {  	_ =	shalt  }
0x74: {  	_ =	shalt  }
0x75: {  	_ =	shalt  }
0x76: {  	_ =	shalt  }
0x77: {  	_ =	shalt  }
0x78: {  	_ =	shalt  }
0x79: {  	_ =	shalt  }
0x7a: {  	_ =	shalt  }
0x7b: {  	_ =	shalt  }
0x7c: {  	_ =	shalt  }
0x7d: {  	_ =	shalt  }
0x7e: {  	_ =	shalt  }
0x7f: {  	_ =	shalt  }
0x80: {  	_ =	shalt  }
0x81: {  	_ =	shalt  }
0x82: {  	_ =	shalt  }
0x83: {  	_ =	shalt  }
0x84: {  	_ =	shalt  }
0x85: {  	_ =	shalt  }
0x86: {  	_ =	shalt  }
0x87: {  	_ =	shalt  }
.Lfunc_end0:
.L_simem_size_0:
called_computation_lowered:
.L_overlay_start_0:
0x88: {  	s2 =	sld [smem:$0x3FD9]  }
0x89: {  	s3 =	sld [smem:$0x3FFE];
	_ =	sdelay $0x1  }
0x8a: {  	s1 =	srdreg.scid  }
0x8b: {  	s0 =	sand.u32 $0x1, s1  }
0x8c: {  	s14 =	sshll.u32 s0, $0xA;
	s2 =	sadd.s32 s3, s2  }
0x8d: {  	s2 =	sadd.s32 s2, s14  }
0x8e: {  	[smem:$0x3FC1] =	sst s2  }
0x8f: {  	_ = 	snop  }
0x90: {  	s2 =	sld [smem:$0x3FD0];
	_ =	sdelay $0x2  }
0x91: {  	s15 =	simm.s32 $0xA;
	s4 =	simm.s32 $0x10  }
0x92: {  	[smem:s4], [sflag:s15] =	dma.local [hbm:s2], $0x1  }
0x93: {  	_ =	swait.eq [sflag:s15], $0x1  }
0x94: {  	[sflag:s15] =	ssyncset.done $0x0  }
0x95: {  	s16 =	sld [smem:$0x10];
	[sflag:s15] =	ssyncadd.s32 $0xFFFFFFFF  }
0x96: {  	s17 =	sld [smem:$0x11];
	(tm) =	ssettm $0x1  }
0x97: {  	s18 =	sld [smem:$0x3FFB];
	_ =	sdelay $0x3  }
0x98: {  	_ =	strace s18  }
0x99: {  	s4 =	sld [smem:$0x3FFC];
	_ =	sdelay $0x3  }
0x9a: {  	_ =	strace s4  }
0x9b: {  	s4 =	sld [smem:$0x3FFD];
	_ =	sdelay $0x3  }
0x9c: {  	_ =	strace s4  }
0x9d: {  	_ =	strace $0x8FFFFFFF  }
0x9e: {  	s19 =	sld [smem:$0x3FDB];
	_ =	sdelay $0x1  }
0x9f: {  	s5 =	simm.s32 $_scs_section_size  }
0xa0: {  	s6 =	simm.s32 $_size__tile_overlayer_lowered;
	s7 =	simm.s32 $_tile_overlayer_lowered  }
0xa1: {  	s22 =	simm.s32 $0x1BFF;
	s21 =	sshll.u32 s7, $0x1;
	s4 =	sadd.s32 s5, s19  }
0xa2: {  	s8 =	simm.s32 $0x0;
	s20 =	sshll.u32 s6, $0x1;
	s6 =	sadd.s32 s21, s4  }
0xa3: {  	[timem:s8], [sflag:s22] =	dma.local [hbm:s6], s20  }
0xa4: {  	_ =	swait.ge [sflag:s22], s20  }
0xa5: {  	s5 =	ssub.s32 $0x0, s20;
	[sflag:s22] =	ssyncset.done $0x0  }
0xa6: {  	[sflag:s22] =	ssyncadd.s32 s5;
	_ =	sdelay $0x1  }
0xa7: {  	s23 =	simm.s32 $0x1B8B  }
0xa8: {  	_ =	swait.ge [sflag:s23], $0x1  }
0xa9: {  	[sflag:s23] =	ssyncset.done $0x0  }
0xaa: {  	s25 =	simm.s32 $0x1B8E;
	s24 =	sld [smem:$0x3FFE];
	[sflag:s23] =	ssyncadd.s32 $0xFFFFFFFF  }
0xab: {  	s26 =	simm.s32 $execute0_lowered;
	[smem:$0x3FD2] =	sst s25  }
0xac: {  	s6 =	sshll.u32 s26, $0x1;
	_ =	strace $0x80000046;
	[dreg:$0x1] =	wrdreg $0xFFFFFFFF  }
0xad: {  	s28 =	simm.s32 $_size_execute0_lowered;
	s4 =	sadd.s32 s4, s6;
	[dreg:$0x0] =	wrdreg $0x0  }
0xae: {  	s6 =	sshll.u32 s28, $0x1;
	[dreg:$0x2] =	wrdreg s4  }
0xaf: {  	[dreg:$0x3] =	wrdreg s6  }
0xb0: {  	[dreg:$0x4] =	wrdreg $0xC0  }
0xb1: {  	_ =	task [dreg:s8], $0x5FFFF  }
0xb2: {  	[dreg:$0x1] =	wrdreg $0xFFFFFFFF  }
0xb3: {  	[dreg:$0x0] =	wrdreg $0x60  }
0xb4: {  	[dreg:$0x2] =	wrdreg s24  }
0xb5: {  	[dreg:$0x3] =	wrdreg s17  }
0xb6: {  	[dreg:$0x4] =	wrdreg s16  }
0xb7: {  	[dreg:$0x5] =	wrdreg $0x9  }
0xb8: {  	_ =	task.clear_ibuf [dreg:s8], $0x6FFFF;
	_ =	strace $0x90000046  }
0xb9: {  	s29 =	simm.s32 $0x9;
	_ =	strace $0x80000048  }
0xba: {  	_ =	swait.ge [sflag:s29], $0x1  }
0xbb: {  	[sflag:s29] =	ssyncadd.s32 $0xFFFFFFFF  }
0xbc: {  	_ =	strace $0x90000048  }
0xbd: {  	_ =	sfence  }
0xbe: {  	s30 =	sld [smem:$0x0];
	_ =	sdelay $0x2  }
0xbf: {  	s31 =	sshll.u32 s1, $0xD;
	s1 =	sshrl.u32 s1, $0x2  }
0xc0: {  	s3 =	sand.u32 $0x4000, s31;
	s1 =	sadd.s32 s1, s30  }
0xc1: {  	s0 =	sor.u32 s3, s0;
	s1 =	sshll.u32 s1, $0x11  }
0xc2: {  	s0 =	sor.u32 s1, s0  }
0xc3: {  	s0 =	sadd.s32 $0x8F2B, s0  }
0xc4: {  	[sflag:s0] =	ssyncadd.remote.s32 $0x1  }
0xc5: {  	_ =	sfence.sel $0xFFFF  }
0xc6: {  	[dreg:$0x0] =	wrdreg $0xFFFFFFFF;
	(pc) =	sbr.abs _section_cstart, $3  }
0xc7: {  	[dreg:$0x1] =	wrdreg $0xFFFFFFFF  }
0xc8: {  	_ =	task.clear_ibuf [dreg:s8], $0x2FFFF;
	_ =	strace $0x9FFFFFFF  }
0xc9: {  	(tm) =	ssettm $0x7FFFFFFF  }
tec
execute0_lowered:
.L_overlay_start_1:
0x0: {  	(tag) =	ssettag $0x1  }
0x1: {  	s0 =	rddreg [dreg:$0x0]  }
0x2: {  	s1 =	rddreg [dreg:$0x1]  }
0x3: {  	s10 =	rddreg [dreg:$0x2]  }
0x4: {  	s2 =	simm.s32 $0x0;
	s5 =	stileid.u32;
	s3 =	srdreg.scid  }
0x5: {  	s18 =	simm.s32 $0x4000;
	[smem:$0x7FF] =	sst s2;
	s4 =	sshll.u32 s5, $0x1  }
0x6: {  	s3 =	sand.u32 $0x1, s3;
	s5 =	sshrl.u32 s5, $0x2;
	s6 =	sadd.s32 $0x1C00, s0  }
0x7: {  	s4 =	sand.u32 $0x6, s4;
	s23 =	sshll.u32 s5, $0xD;
	s8 =	smul.u32 $0x3, s5  }
0x8: {  	s5 =	smul.u32 $0x180, s5;
	s4 =	sor.u32 s3, s4;
	s3 =	ssub.s32 $0x2, s3  }
0x9: {  	_ =	strace $0x80000047;
	s7 =	sshll.u32 s4, $0xA;
	s19 =	sshrl.u32 s3, $0x1  }
0xa: {  	s20 =	sshrl.u32 s8, $0x3;
	s9 =	sand.u32 $0x380, s5;
	s12 =	sadd.s32 $0x1, s8  }
0xb: {  	s25 =	sadd.s32 $0x2, s8;
	s11 =	sor.u32 s23, s7;
	s13 =	ssub.s32 s3, s19  }
0xc: {  	s21 =	sshll.u32 s20, $0x10;
	s3 =	sshll.u32 s4, $0x6;
	s24 =	sshll.u32 s12, $0x7  }
0xd: {  	s12 =	sshrl.u32 s12, $0x3;
	s15 =	sshrl.u32 s25, $0x3;
	s5 =	sshll.u32 s25, $0x7  }
0xe: {  	s7 =	sshll.u32 s20, $0xC;
	s19 =	simm.s32 $0xE000;
	s20 =	simm.s32 $0xE200  }
0xf: {  	s0 =	sadd.s32 s11, s0;
	s22 =	sor.u32 s9, s21;
	s14 =	sand.u32 $0x380, s24  }
0x10: {  	s26 =	sshll.u32 s12, $0x10;
	s16 =	sand.u32 $0x380, s5;
	s28 =	sshll.u32 s15, $0x10  }
0x11: {  	s30 =	sshll.u32 s12, $0xC;
	s7 =	sor.u32 s9, s7;
	s31 =	sshll.u32 s15, $0xC  }
0x12: {  	s10 =	sadd.s32 s10, s11;
	s13 =	smax.u32 s13, $0x1;
	s15 =	simm.s32 $0x400  }
0x13: {  	s21 =	simm.s32 $0xE400;
	s8 =	sor.u32 s14, s26;
	s4 =	sshrl.u32 s22, $0x3  }
0x14: {  	s17 =	sor.u32 s16, s28;
	s7 =	sshrl.u32 s7, $0x3;
	s9 =	sor.u32 s16, s31  }
0x15: {  	s11 =	sadd.s32 $0x5C00, s0;
	s12 =	sadd.s32 $0xDC00, s0;
	s16 =	simm.s32 $0x1  }
0x16: {  	s22 =	simm.s32 $0xE600;
	s26 =	simm.s32 $0x0;
	s8 =	sshrl.u32 s8, $0x3  }
0x17: {  	s4 =	sadd.s32 s6, s4;
	s29 =	sshrl.u32 s17, $0x3;
	s7 =	sadd.s32 s1, s7  }
0x18: {  	s9 =	sshrl.u32 s9, $0x3;
	s5 =	sadd.s32 s6, s8;
	s8 =	sor.u32 s14, s30  }
0x19: {  	v0 =	vlaneseq.u32;
	s17 =	simm.s32 $0x2000;
	s6 =	sadd.s32 s6, s29;
	s8 =	sshrl.u32 s8, $0x3  }
0x1a: {  	v2 =	vimm.s32 $0x0;
	v3 =	vor.u32 $0x10, v0;
	v1 =	vmov s23;
	s9 =	sadd.s32 s1, s9;
	s14 =	simm.s32 $0x80;
	s8 =	sadd.s32 s1, s8  }
.LBB2_1:
0x1b: {  	[tilespmem:s2], [sflag:$0x1] =	stream.strided.gather [hbm4b:s4+s14], $0x2000, s15, s14, $0x38;
	[tilespmem:$0x14680] =	vst v63  }
0x1c: {  	_ =	swait.ge [sflag:s16], $0x2000  }
0x1d: {  	[sflag:s16] =	ssyncset.done $0x0  }
0x1e: {  	[sflag:s16] =	ssyncadd.s32 $0xFFFFE000  }
0x1f: {  	[tilespmem:s17], [sflag:$0x1] =	stream.strided.gather [hbm4b:s5+s14], $0x2000, s15, s14, $0x38;
	[tilespmem:$0x14680] =	vst v63  }
0x20: {  	_ =	swait.ge [sflag:s16], $0x2000  }
0x21: {  	[sflag:s16] =	ssyncset.done $0x0  }
0x22: {  	[sflag:s16] =	ssyncadd.s32 $0xFFFFE000  }
0x23: {  	[tilespmem:s18], [sflag:$0x1] =	stream.strided.gather [hbm4b:s6+s14], $0x2000, s15, s14, $0x38;
	[tilespmem:$0x14680] =	vst v63  }
0x24: {  	_ =	swait.ge [sflag:s16], $0x2000  }
0x25: {  	[sflag:s16] =	ssyncset.done $0x0  }
0x26: {  	[sflag:s16] =	ssyncadd.s32 $0xFFFFE000  }
0x27: {  	[tilespmem:s19], [sflag:$0x1] =	stream.strided.gather [hbm4b:s7+s14], $0x200, s15, s14, $0x38;
	[tilespmem:$0x14680] =	vst v63  }
0x28: {  	_ =	swait.ge [sflag:s16], $0x200  }
0x29: {  	[sflag:s16] =	ssyncset.done $0x0  }
0x2a: {  	[sflag:s16] =	ssyncadd.s32 $0xFFFFFE00  }
0x2b: {  	[tilespmem:s20], [sflag:$0x1] =	stream.strided.gather [hbm4b:s8+s14], $0x200, s15, s14, $0x38;
	[tilespmem:$0x14680] =	vst v63  }
0x2c: {  	_ =	swait.ge [sflag:s16], $0x200  }
0x2d: {  	[sflag:s16] =	ssyncset.done $0x0  }
0x2e: {  	[sflag:s16] =	ssyncadd.s32 $0xFFFFFE00  }
0x2f: {  	[tilespmem:s21], [sflag:$0x1] =	stream.strided.gather [hbm4b:s9+s14], $0x200, s15, s14, $0x38;
	[tilespmem:$0x14680] =	vst v63  }
0x30: {  	_ =	swait.ge [sflag:s16], $0x200  }
0x31: {  	[sflag:s16] =	ssyncset.done $0x0  }
0x32: {  	s29 =	simm.s32 $0x0;
	[sflag:s16] =	ssyncadd.s32 $0xFFFFFE00  }
0x33: {  	v4 =	vld [tilespmem:s29+$0x4000]  }
0x34: {  	v5 =	vld [tilespmem:s29+$0x0]  }
0x35: {  	v6 =	vld [tilespmem:s29+$0x2000];
	_ =	sdelay $0x3  }
0x36: {  	v7 =	vmul.f32 v4, v4;
	v8 =	vshrl.u32 v4, $0x10;
	v9 =	vmul.f32 v5, v5  }
0x37: {  	s28 =	simm.s32 $0x10;
	v10 =	vshrl.u32 v5, $0x10;
	v11 =	vshrl.u32 v6, $0x10;
	v8 =	vand.u32 $0x1, v8  }
0x38: {  	v12 =	vld [tilespmem:s28+$0x4000];
	v10 =	vand.u32 $0x1, v10;
	v11 =	vand.u32 $0x1, v11;
	v4 =	vadd.s32 v8, v4  }
0x39: {  	v8 =	vmul.f32 v6, v6;
	v5 =	vadd.s32 v10, v5;
	v10 =	vadd.s32 v11, v6;
	v6 =	vld [tilespmem:s28+$0x2000]  }
0x3a: {  	v13 =	vadd.s32 $0x7FFF, v4;
	v4 =	vld [tilespmem:s28+$0x0];
	v5 =	vadd.s32 $0x7FFF, v5  }
0x3b: {  	v10 =	vadd.s32 $0x7FFF, v10;
	v11 =	vand.u32 $0xFFFF0000, v13;
	v8 =	vadd.f32 v8, v9  }
0x3c: {  	v5 =	vand.u32 $0xFFFF0000, v5;
	v9 =	vand.u32 $0xFFFF0000, v10;
	v11 =	vmul.f32 $-2.000000000e+00, v11  }
0x3d: {  	v10 =	vmul.f32 $-2.000000000e+00, v5;
	v63 =	vmul.f32 $-2.000000000e+00, v9  }
0x3e: {  	v5 =	vmul.f32 v12, v12;
	v9 =	vshrl.u32 v12, $0x10;
	v8 =	vadd.f32 v7, v8;
	[tilespmem:s29+$0xC000] =	vst v11  }
0x3f: {  	v14 =	vand.u32 $0x1, v9;
	[tilespmem:s29+$0x8000] =	vst v10;
	v10 =	vshrl.u32 v6, $0x10;
	v11 =	vshrl.u32 v4, $0x10  }
0x40: {  	s30 =	simm.s32 $0x20;
	s0 =	simm.s32 $0xC0;
	[tilespmem:s29+$0xA000] =	vst v63;
	v7 =	vmul.f32 v4, v4;
	v9 =	vand.u32 $0x1, v11;
	v11 =	vadd.s32 v14, v12  }
.LBB2_2:
0x41: {  	p0 =	sne.s32 s0, $0x7FC0;
	v12 =	vld [tilespmem:s30+$0x4000];
	v13 =	vmul.f32 v6, v6;
	v10 =	vand.u32 $0x1, v10;
	v11 =	vadd.s32 $0x7FFF, v11;
	[tilespmem:s29+$0x6000] =	vst v8;
	s29 =	smov.u32 s28;
	s28 =	smov.u32 s30  }
0x42: {  	v8 =	vadd.s32 v9, v4;
	v4 =	vld [tilespmem:s28+$0x0];
	v9 =	vadd.s32 v10, v6;
	v10 =	vand.u32 $0xFFFF0000, v11  }
0x43: {  	v8 =	vadd.s32 $0x7FFF, v8;
	v6 =	vld [tilespmem:s28+$0x2000];
	v9 =	vadd.s32 $0x7FFF, v9;
	v10 =	vmul.f32 $-2.000000000e+00, v10  }
.Ltmp0:
0x44: {  	v7 =	vadd.f32 v13, v7;
	v8 =	vand.u32 $0xFFFF0000, v8;
	v9 =	vand.u32 $0xFFFF0000, v9;
	(pc) =	sbr.rel @p0 .LBB2_2-.Ltmp0, $4  }
0x45: {  	v11 =	vmul.f32 $-2.000000000e+00, v8;
	v13 =	vmul.f32 $-2.000000000e+00, v9;
	[tilespmem:s29+$0xC000] =	vst v10  }
0x46: {  	v8 =	vadd.f32 v5, v7;
	v9 =	vshrl.u32 v12, $0x10;
	v5 =	vmul.f32 v12, v12  }
0x47: {  	v7 =	vmul.f32 v4, v4;
	v10 =	vshrl.u32 v4, $0x10;
	v14 =	vand.u32 $0x1, v9;
	[tilespmem:s29+$0x8000] =	vst v11  }
0x48: {  	s30 =	sshra.s32 s0, $0x2;
	s0 =	sadd.s32 $0x40, s0;
	v9 =	vand.u32 $0x1, v10;
	v10 =	vshrl.u32 v6, $0x10;
	v11 =	vadd.s32 v14, v12;
	[tilespmem:s29+$0xA000] =	vst v13  }
0x49: {  	v12 =	vld [tilespmem:s30+$0x4000];
	[tilespmem:s29+$0x6000] =	vst v8;
	v53 =	vmul.f32 v6, v6;
	v10 =	vand.u32 $0x1, v10;
	v11 =	vadd.s32 $0x7FFF, v11  }
0x4a: {  	v4 =	vadd.s32 v9, v4;
	v13 =	vld [tilespmem:s30+$0x0];
	v54 =	vadd.s32 v10, v6;
	v55 =	vand.u32 $0xFFFF0000, v11  }
0x4b: {  	v56 =	vld [tilespmem:s30+$0x2000];
	v4 =	vadd.s32 $0x7FFF, v4;
	v6 =	vadd.s32 $0x7FFF, v54;
	v9 =	vmul.f32 $-2.000000000e+00, v55  }
0x4c: {  	v7 =	vadd.f32 v53, v7;
	v4 =	vand.u32 $0xFFFF0000, v4;
	v6 =	vand.u32 $0xFFFF0000, v6  }
0x4d: {  	v4 =	vmul.f32 $-2.000000000e+00, v4;
	v6 =	vmul.f32 $-2.000000000e+00, v6  }
0x4e: {  	v5 =	vadd.f32 v5, v7;
	v57 =	vshrl.u32 v12, $0x10;
	v59 =	vmul.f32 v12, v12  }
0x4f: {  	v58 =	vshrl.u32 v13, $0x10;
	v8 =	vand.u32 $0x1, v57;
	v60 =	vmul.f32 v13, v13  }
0x50: {  	v62 =	vmul.f32 v56, v56;
	v7 =	vand.u32 $0x1, v58;
	v8 =	vadd.s32 v8, v12  }
0x51: {  	[tilespmem:s28+$0xC000] =	vst v9;
	v61 =	vshrl.u32 v56, $0x10;
	v7 =	vadd.s32 v7, v13;
	v8 =	vadd.s32 $0x7FFF, v8  }
0x52: {  	[tilespmem:s28+$0x6000] =	vst v5;
	v13 =	vand.u32 $0x1, v61;
	v5 =	vadd.f32 v62, v60;
	v8 =	vand.u32 $0xFFFF0000, v8  }
0x53: {  	[tilespmem:s28+$0x8000] =	vst v4;
	v4 =	vadd.s32 v13, v56;
	v7 =	vadd.s32 $0x7FFF, v7;
	v63 =	vmul.f32 $-2.000000000e+00, v8  }
0x54: {  	[tilespmem:s28+$0xA000] =	vst v6;
	v4 =	vadd.s32 $0x7FFF, v4;
	v7 =	vand.u32 $0xFFFF0000, v7;
	v5 =	vadd.f32 v59, v5  }
0x55: {  	v4 =	vand.u32 $0xFFFF0000, v4;
	v7 =	vmul.f32 $-2.000000000e+00, v7;
	[tilespmem:s30+$0xC000] =	vst v63  }
0x56: {  	v4 =	vmul.f32 $-2.000000000e+00, v4;
	[tilespmem:s30+$0x6000] =	vst v5  }
0x57: {  	[tilespmem:s30+$0x8000] =	vst v7  }
0x58: {  	s28 =	simm.s32 $0x0;
	[tilespmem:s30+$0xA000] =	vst v4  }
.LBB2_4:
0x59: {  	s0 =	sadd.s32 s3, s28  }
0x5a: {  	v4 =	vmov s0;
	_ =	sdelay $0x4  }
0x5b: {  	v5 =	vld.idx.msk [tilespmem:v4+s19+$0x0], $0xffff  }
0x5c: {  	v6 =	vld.idx.msk [tilespmem:v4+s20+$0x0], $0xffff;
	_ =	sdelay $0x1  }
0x5d: {  	v4 =	vld.idx.msk [tilespmem:v4+s21+$0x0], $0xffff;
	_ =	sdelay $0x2  }
0x5e: {  	v7 =	vmul.f32 v5, v5;
	v8 =	vmul.f32 v6, v6;
	_ =	sdelay $0x1  }
0x5f: {  	v7 =	vadd.f32 v8, v7;
	v8 =	vmul.f32 v4, v4  }
0x60: {  	v9 =	vshrl.u32 v6, $0x10  }
0x61: {  	v10 =	vshrl.u32 v4, $0x10;
	v7 =	vadd.f32 v8, v7;
	v8 =	vshrl.u32 v5, $0x10  }
0x62: {  	v9 =	vand.u32 $0x1, v9;
	v10 =	vand.u32 $0x1, v10;
	v8 =	vand.u32 $0x1, v8  }
0x63: {  	s29 =	simm.s32 $0xA010;
	v9 =	vadd.s32 v9, v6;
	v10 =	vadd.s32 v10, v4;
	v8 =	vadd.s32 v8, v5  }
0x64: {  	s30 =	simm.s32 $0xC010;
	s31 =	simm.s32 $0x6010;
	s23 =	simm.s32 $0x0;
	v9 =	vadd.s32 $0x7FFF, v9;
	v10 =	vadd.s32 $0x7FFF, v10;
	v8 =	vadd.s32 $0x7FFF, v8  }
0x65: {  	s1 =	simm.s32 $0x0;
	s24 =	simm.s32 $0x0;
	s0 =	simm.s32 $0x8010;
	v9 =	vand.u32 $0xFFFF0000, v9;
	v10 =	vand.u32 $0xFFFF0000, v10;
	v8 =	vand.u32 $0xFFFF0000, v8  }
.LBB2_5:
0x66: {  	v11 =	vld [tilespmem:s0+$0xFFFFFFF0]  }
0x67: {  	v12 =	vld [tilespmem:s29+$0xFFFFFFF0];
	_ =	sdelay $0x1  }
0x68: {  	v13 =	vld [tilespmem:s30+$0xFFFFFFF0];
	_ =	sdelay $0x2  }
0x69: {  	v11 =	vmul.f32 v8, v11;
	v12 =	vmul.f32 v9, v12;
	_ =	sdelay $0x1  }
0x6a: {  	v57 =	vmul.f32 v10, v13;
	v11 =	vadd.f32 v12, v11  }
0x6b: {  	v58 =	vld [tilespmem:s31+$0xFFFFFFF0]  }
0x6c: {  	v11 =	vadd.f32 v57, v11;
	_ =	sdelay $0x1  }
0x6d: {  	v11 =	vadd.f32 v11, v7;
	_ =	sdelay $0x1  }
0x6e: {  	v11 =	vadd.f32 v11, v58;
	_ =	sdelay $0x1  }
0x6f: {  	vm0 =	vle.f32 v11, $3.999999910e-02  }
0x70: {  	v11 =	vsel vm0, $0x1, v2  }
0x71: {  	(xrf0) =	vadd.scan.msk.s32 $0xffff, v11;
	_ =	sdelay $0x5  }
0x72: {  	s25 =	sadd.s32 $0xFFFFFFFF, s1;
	v11, _, _ =	vpop (xrf0)  }
0x73: {  	v59 =	vadd.s32 s25, v11;
	_ =	sdelay $0x3  }
0x74: {  	v60 =	vor.u32 s23, v0  }
0x75: {  	[tilespmem:v59+s22+$0x0] =	vst.idx.msk vm0, v60  }
0x76: {  	v12 =	vld [tilespmem:s0+$0x0]  }
0x77: {  	v13 =	vld [tilespmem:s29+$0x0];
	_ =	sdelay $0x1  }
0x78: {  	v14 =	vld [tilespmem:s30+$0x0];
	_ =	sdelay $0x2  }
0x79: {  	v12 =	vmul.f32 v8, v12;
	v13 =	vmul.f32 v9, v13;
	_ =	sdelay $0x1  }
0x7a: {  	v61 =	vmul.f32 v10, v14;
	v12 =	vadd.f32 v13, v12  }
0x7b: {  	v62 =	vld [tilespmem:s31+$0x0]  }
0x7c: {  	v12 =	vadd.f32 v61, v12;
	_ =	sdelay $0x1  }
0x7d: {  	v12 =	vadd.f32 v12, v7;
	_ =	sdelay $0x1  }
0x7e: {  	v12 =	vadd.f32 v12, v62;
	_ =	sdelay $0x1  }
0x7f: {  	vm15 =	vle.f32 v12, $3.999999910e-02  }
0x80: {  	v12 =	vsel vm15, $0x1, v2  }
0x81: {  	(xrf0) =	vadd.scan.msk.s32 $0xffff, v12;
	_ =	sdelay $0x3  }
0x82: {  	(v2sf) =	vpush v11, $0xF;
	_ =	sdelay $0x1  }
0x83: {  	v11, _, _ =	vpop (xrf0)  }
0x84: {  	(v2sf) =	vpush v11, $0xF;
	_ =	sdelay $0xb  }
0x85: {  	s25 =	spop (v2sf)  }
0x86: {  	s1 =	sadd.s32 s1, s25  }
0x87: {  	s25 =	sadd.s32 $0xFFFFFFFF, s1  }
0x88: {  	v11 =	vadd.s32 s25, v11;
	s25 =	spop (v2sf)  }
0x89: {  	p0 =	sgt.u32 s24, $0xFE;
	s1 =	sadd.s32 s1, s25  }
0x8a: {  	p1 =	slt.s32 @!p0 s1, $0x20  }
0x8b: {  	p0 =	por p0, !p1  }
.Ltmp1:
0x8c: {  	_ = 	snop;
	(pc) =	sbr.rel @!p0 .LBB2_5-.Ltmp1, $4  }
0x8d: {  	_ = 	snop  }
0x8e: {  	s25 =	sadd.s32 $0x10, s23  }
0x8f: {  	s24 =	sadd.s32 $0x1, s24;
	s29 =	sadd.s32 $0x20, s29;
	s30 =	sadd.s32 $0x20, s30;
	v63 =	vor.u32 s25, v0  }
0x90: {  	s31 =	sadd.s32 $0x20, s31;
	s0 =	sadd.s32 $0x20, s0;
	s23 =	sadd.s32 $0x20, s23;
	[tilespmem:v11+s22+$0x0] =	vst.idx.msk vm15, v63  }
0x91: {  	v7 =	vld.msk [tilespmem:s22+$0x0], $0xffff  }
0x92: {  	p0 =	slt.s32 s1, $0x20;
	v8 =	vld [tilespmem:$0xE600]  }
0x93: {  	s1 =	simm.s32 @!p0 $0x20  }
0x94: {  	v9 =	vmov s1  }
0x95: {  	vm0 =	vgt.s32 v9, $0x0  }
0x96: {  	vm14 =	vgt.s32 v9, v0;
	v7 =	vnsel vm0, $0x2000, v7  }
0x97: {  	v8 =	vsel vm14, v8, v7  }
0x98: {  	vm0 =	vlt.s32 v8, $0x1FFF  }
0x99: {  	v10 =	vnsel vm0, $0x1FFF, v8;
	_ =	sdelay $0x1  }
0x9a: {  	s0 =	sshll.u32 s28, $0x7  }
0x9b: {  	[tilespmem:s0+$0xE680] =	vst v8;
	v59 =	vadd.s32 v1, v10  }
0x9c: {  	[tilespmem:s0+$0x10680] =	vst v59  }
0x9d: {  	v8 =	vld.idx.msk [tilespmem:v10+s2+$0x0], $0xffff  }
0x9e: {  	v11 =	vld.idx.msk [tilespmem:v10+s17+$0x0], $0xffff  }
0x9f: {  	v10 =	vld.idx.msk [tilespmem:v10+s18+$0x0], $0xffff;
	_ =	sdelay $0x2  }
0xa0: {  	v8 =	vsub.f32 v8, v5  }
0xa1: {  	v11 =	vsub.f32 v11, v6  }
0xa2: {  	v60 =	vsub.f32 v10, v4;
	[tilespmem:s0+$0x12680] =	vst v8  }
0xa3: {  	[tilespmem:s0+$0x126A0] =	vst v11  }
0xa4: {  	[tilespmem:s0+$0x126C0] =	vst v60  }
0xa5: {  	v8 =	vld [tilespmem:$0xE610];
	_ =	sdelay $0x3  }
0xa6: {  	vm15 =	vgt.s32 v9, v3  }
0xa7: {  	v7 =	vsel vm15, v8, v7  }
0xa8: {  	vm0 =	vlt.s32 v7, $0x1FFF  }
0xa9: {  	v8 =	vnsel vm0, $0x1FFF, v7;
	_ =	sdelay $0x2  }
0xaa: {  	[tilespmem:s0+$0xE690] =	vst v7;
	v61 =	vadd.s32 v1, v8  }
0xab: {  	[tilespmem:s0+$0x10690] =	vst v61  }
0xac: {  	v7 =	vld.idx.msk [tilespmem:v8+s2+$0x0], $0xffff  }
0xad: {  	v62 =	vld.idx.msk [tilespmem:v8+s17+$0x0], $0xffff  }
0xae: {  	v8 =	vld.idx.msk [tilespmem:v8+s18+$0x0], $0xffff  }
0xaf: {  	s28 =	sadd.s32 $0x1, s28  }
0xb0: {  	p0 =	sne.s32 s28, $0x40  }
.Ltmp2:
0xb1: {  	v5 =	vsub.f32 v7, v5;
	(pc) =	sbr.rel @p0 .LBB2_4-.Ltmp2, $4  }
0xb2: {  	v63 =	vsub.f32 v62, v6  }
0xb3: {  	v4 =	vsub.f32 v8, v4;
	[tilespmem:s0+$0x12690] =	vst v5  }
0xb4: {  	[tilespmem:s0+$0x126B0] =	vst v63  }
0xb5: {  	[tilespmem:s0+$0x126D0] =	vst v4  }
0xb6: {  	s0 =	simm.s32 $0xE680  }
0xb7: {  	[hbm4b:s10+s2] =	stream.linear.scatter [tilespmem:s0], [sflag:$0x1], $0x2000, $0x38;
	[tilespmem:$0x14680] =	vst v63  }
0xb8: {  	_ =	swait.ge [sflag:s16], $0x2000  }
0xb9: {  	[sflag:s16] =	ssyncset.done $0x0  }
0xba: {  	s30 =	simm.s32 $0x10680;
	[sflag:s16] =	ssyncadd.s32 $0xFFFFE000  }
0xbb: {  	[hbm4b:s11+s2] =	stream.linear.scatter [tilespmem:s30], [sflag:$0x1], $0x2000, $0x38;
	[tilespmem:$0x14680] =	vst v63  }
0xbc: {  	s26 =	sadd.s32 $0x1, s26;
	_ =	swait.ge [sflag:s16], $0x2000  }
0xbd: {  	p0 =	sne.s32 s26, s13;
	[sflag:s16] =	ssyncset.done $0x0  }
.Ltmp3:
0xbe: {  	s31 =	simm.s32 $0x12680;
	[sflag:s16] =	ssyncadd.s32 $0xFFFFE000;
	(pc) =	sbr.rel @p0 .LBB2_1-.Ltmp3, $4  }
0xbf: {  	[hbm4b:s12+s2] =	stream.linear.scatter [tilespmem:s31], [sflag:$0x1], $0x2000, $0x38;
	[tilespmem:$0x14680] =	vst v63  }
0xc0: {  	_ =	swait.ge [sflag:s16], $0x2000  }
0xc1: {  	[sflag:s16] =	ssyncset.done $0x0  }
0xc2: {  	[sflag:s16] =	ssyncadd.s32 $0xFFFFE000  }
0xc3: {  	_ =	sfence.sel $0x180000  }
0xc4: {  	[bflag:$0x0] =	sbarrier.arrive $0xFFFF  }
0xc5: {  	_ =	strace $0x90000047  }
0xc6: {  	s0 =	stileid.u32;
	[bflag:$0x2] =	sbarrier.arrive $0xFFFF  }
0xc7: {  	p0 =	sne.s32 s0, $0x0;
	s0 =	rddreg [dreg:$0x3]  }
0xc8: {  	s0 =	sadd.s32 @!p0 $0x100000, s0  }
0xc9: {  	[sflag:s0] =	ssyncadd.tile.s32 @!p0 $0x1;
	_ =	shalt  }
.Lfunc_end2:
_tile_overlayer_lowered:
.L_overlay_start_2:
0xca: {  	(tag) =	ssettag $0x2  }
0xcb: {  	s0 =	rddreg [dreg:$0x0];
	s2 =	stileid.u32  }
0xcc: {  	s1 =	rddreg [dreg:$0x1];
	p0 =	sne.s32 s2, $0x0  }
0xcd: {  	s3 =	rddreg [dreg:$0x2];
	[bflag:$0x3] =	sbarrier.arrive $0xFFFF;
	s2 =	simm.s32 @!p0 $0x1C01  }
0xce: {  	[timem:s3], [sflag:s2] =	dma.local @!p0 [hbm:s0], s1  }
0xcf: {  	s0 =	simm.s32 @!p0 $0x1  }
0xd0: {  	_ =	swait.ge @!p0 [sflag:s0], s1  }
0xd1: {  	s1 =	ssub.s32 @!p0 $0x0, s1;
	[sflag:s0] =	ssyncset.done @!p0 $0x0  }
0xd2: {  	[sflag:s0] =	ssyncadd.s32 @!p0 s1  }
0xd3: {  	[bflag:$0x3] =	sbarrier.arrive $0xFFFF  }
0xd4: {  	_ =	shalt  }

// kernel: kernel.8.cloned.1.call-start
scs
__scs_entry_jumppad:
0x0: {  	(pc) =	sbr.rel $0x88, $3  }
0x1: {  	(tag) =	ssettag $0x0;
	lr =	simm.s32 $0x1  }
0x2: {  	[smem:$0x3F9A] =	sst lr;
	_ =	strace $0xD0000000  }
0x3: {  	_ = 	snop  }
0x4: {  	_ = 	snop  }
0x5: {  	_ = 	snop  }
0x6: {  	_ = 	snop  }
0x7: {  	_ = 	snop  }
__scs_overlays_trampoline_lowered:
0x8: {  	[smem:$0x3FA9] =	sst s0  }
0x9: {  	[smem:$0x3FAA] =	sst s1  }
0xa: {  	[smem:$0x3FAB] =	sst s2  }
0xb: {  	[smem:$0x3FAC] =	sst s3  }
0xc: {  	[smem:$0x3FAD] =	sst s4  }
0xd: {  	[smem:$0x3FAE] =	sst s5  }
0xe: {  	[smem:$0x3FAF] =	sst s6  }
0xf: {  	[smem:$0x3FB0] =	sst s7  }
0x10: {  	[smem:$0x3FB1] =	sst s8  }
0x11: {  	[smem:$0x3FB2] =	sst s9;
	s0 =	simm.s32 @!p0 $0x0  }
0x12: {  	s1 =	sld [smem:$0x3F98];
	s0 =	simm.s32 @p0 $0x1  }
0x13: {  	[smem:$0x3FB3] =	sst s0;
	s0 =	simm.s32 @!p1 $0x0  }
0x14: {  	s2 =	sld [smem:$0x3F97];
	s0 =	simm.s32 @p1 $0x1  }
0x15: {  	[smem:$0x3FB4] =	sst s0;
	s0 =	simm.s32 @!p2 $0x0  }
0x16: {  	s3 =	sld [smem:$0x3FDB];
	s0 =	simm.s32 @p2 $0x1  }
0x17: {  	s4 =	simm.s32 $0x1BF5;
	[smem:$0x3FB6] =	sst s0  }
0x18: {  	s0 =	sld [smem:$0x3F99];
	_ =	swait.ge [sflag:s4], $0x0  }
0x19: {  	s7 =	sld [smem:$0x3F9A]  }
0x1a: {  	s8 =	sadd.s32 $0xFFFFE003, lr  }
0x1b: {  	s9 =	sadd.s32 $0xFFFFFEF7, lr;
	s5 =	simm.s32 $0xFFFFFFFF;
	p2 =	slt.u32 s8, $0xFFFFF086  }
0x1c: {  	p1 =	slt.u32 s9, $0xF7A;
	s5 =	simm.s32 @!p2 $0x0  }
0x1d: {  	s5 =	simm.s32 @p1 $0x1;
	p0 =	seq.s32 s7, s2  }
0x1e: {  	s7 =	smul.u32 @!p0 $0xF7A, s2;
	p2 =	seq.s32 @!p0 s5, $0x0  }
0x1f: {  	s9 =	smul.u32 $0xF7A, s1;
	s8 =	simm.s32 @!p0 $0x1BF5;
	p2 =	por !p2, p0  }
0x20: {  	[sflag:s8] =	ssyncset.s32 @!p0 $0xFFFFF086;
	s6 =	sadd.s32 @!p0 s3, s7;
	s7 =	simm.s32 @!p0 $0x108  }
0x21: {  	s3 =	sadd.s32 s3, s9;
	s6 =	sadd.s32 @!p0 $0x88, s6;
	s7 =	simm.s32 @p2 $0x1082  }
0x22: {  	[simem:s7], [sflag:s8] =	dma.local @!p0 [hbm:s6], $0xF7A  }
0x23: {  	s9 =	sor.u32 $0xD0000000, s2;
	s6 =	simm.s32 $0x108;
	_ =	swait.ge @!p0 [sflag:s8], $0x0  }
0x24: {  	s3 =	sadd.s32 $0x88, s3;
	s6 =	simm.s32 @!p1 $0x1082;
	[sflag:s4] =	ssyncset.s32 $0xFFFFF086  }
0x25: {  	[simem:s6], [sflag:s4] =	dma.local [hbm:s3], $0xF7A  }
0x26: {  	[smem:$0x3F9A] =	sst s1;
	(tag) =	ssettag s2;
	_ =	strace s9  }
0x27: {  	s1 =	sld [smem:$0x3FAA]  }
0x28: {  	s2 =	sld [smem:$0x3FAB]  }
0x29: {  	s4 =	sld [smem:$0x3FAD]  }
0x2a: {  	p0 =	seq.s32 s5, $0x0;
	s5 =	sld [smem:$0x3FAE]  }
0x2b: {  	s6 =	sld [smem:$0x3FAF]  }
0x2c: {  	s7 =	sld [smem:$0x3FB0]  }
0x2d: {  	s3 =	simm.s32 $0x108;
	s8 =	sld [smem:$0x3FB1]  }
0x2e: {  	s3 =	simm.s32 @!p0 $0x1082;
	s9 =	sld [smem:$0x3FB2]  }
0x2f: {  	lr =	sadd.s32 s0, s3;
	s0 =	sld [smem:$0x3FA9]  }
0x30: {  	s3 =	sld [smem:$0x3FAC]  }
0x31: {  	[smem:$0x3FB5] =	sst s10  }
0x32: {  	s10 =	sld [smem:$0x3FB3];
	_ =	sdelay $0x3  }
0x33: {  	p0 =	seq.s32 s10, $0x1;
	s10 =	sld [smem:$0x3FB5];
	_ =	sdelay $0x3  }
0x34: {  	[smem:$0x3FB5] =	sst s10  }
0x35: {  	s10 =	sld [smem:$0x3FB4];
	_ =	sdelay $0x3  }
0x36: {  	p1 =	seq.s32 s10, $0x1;
	s10 =	sld [smem:$0x3FB5];
	_ =	sdelay $0x3  }
0x37: {  	[smem:$0x3FB5] =	sst s10  }
0x38: {  	s10 =	sld [smem:$0x3FB6]  }
0x39: {  	_ = 	snop;
	(pc) =	sbr.ind lr, $3  }
0x3a: {  	_ = 	snop  }
0x3b: {  	_ = 	snop  }
0x3c: {  	p2 =	seq.s32 s10, $0x1;
	s10 =	sld [smem:$0x3FB5]  }
0x3d: {  	_ =	shalt  }
0x3e: {  	_ =	shalt  }
0x3f: {  	_ =	shalt  }
0x40: {  	_ =	shalt  }
0x41: {  	_ =	shalt  }
0x42: {  	_ =	shalt  }
0x43: {  	_ =	shalt  }
0x44: {  	_ =	shalt  }
0x45: {  	_ =	shalt  }
0x46: {  	_ =	shalt  }
0x47: {  	_ =	shalt  }
0x48: {  	_ =	shalt  }
0x49: {  	_ =	shalt  }
0x4a: {  	_ =	shalt  }
0x4b: {  	_ =	shalt  }
0x4c: {  	_ =	shalt  }
0x4d: {  	_ =	shalt  }
0x4e: {  	_ =	shalt  }
0x4f: {  	_ =	shalt  }
0x50: {  	_ =	shalt  }
0x51: {  	_ =	shalt  }
0x52: {  	_ =	shalt  }
0x53: {  	_ =	shalt  }
0x54: {  	_ =	shalt  }
0x55: {  	_ =	shalt  }
0x56: {  	_ =	shalt  }
0x57: {  	_ =	shalt  }
0x58: {  	_ =	shalt  }
0x59: {  	_ =	shalt  }
0x5a: {  	_ =	shalt  }
0x5b: {  	_ =	shalt  }
0x5c: {  	_ =	shalt  }
0x5d: {  	_ =	shalt  }
0x5e: {  	_ =	shalt  }
0x5f: {  	_ =	shalt  }
0x60: {  	_ =	shalt  }
0x61: {  	_ =	shalt  }
0x62: {  	_ =	shalt  }
0x63: {  	_ =	shalt  }
0x64: {  	_ =	shalt  }
0x65: {  	_ =	shalt  }
0x66: {  	_ =	shalt  }
0x67: {  	_ =	shalt  }
0x68: {  	_ =	shalt  }
0x69: {  	_ =	shalt  }
0x6a: {  	_ =	shalt  }
0x6b: {  	_ =	shalt  }
0x6c: {  	_ =	shalt  }
0x6d: {  	_ =	shalt  }
0x6e: {  	_ =	shalt  }
0x6f: {  	_ =	shalt  }
0x70: {  	_ =	shalt  }
0x71: {  	_ =	shalt  }
0x72: {  	_ =	shalt  }
0x73: {  	_ =	shalt  }
0x74: {  	_ =	shalt  }
0x75: {  	_ =	shalt  }
0x76: {  	_ =	shalt  }
0x77: {  	_ =	shalt  }
0x78: {  	_ =	shalt  }
0x79: {  	_ =	shalt  }
0x7a: {  	_ =	shalt  }
0x7b: {  	_ =	shalt  }
0x7c: {  	_ =	shalt  }
0x7d: {  	_ =	shalt  }
0x7e: {  	_ =	shalt  }
0x7f: {  	_ =	shalt  }
0x80: {  	_ =	shalt  }
0x81: {  	_ =	shalt  }
0x82: {  	_ =	shalt  }
0x83: {  	_ =	shalt  }
0x84: {  	_ =	shalt  }
0x85: {  	_ =	shalt  }
0x86: {  	_ =	shalt  }
0x87: {  	_ =	shalt  }
.Lfunc_end0:
.L_simem_size_0:
called_computation.1_lowered:
.L_overlay_start_0:
0x88: {  	s2 =	sld [smem:$0x3FD9]  }
0x89: {  	s3 =	sld [smem:$0x3FFE];
	_ =	sdelay $0x1  }
0x8a: {  	s1 =	srdreg.scid  }
0x8b: {  	s0 =	sand.u32 $0x1, s1  }
0x8c: {  	s17 =	sshll.u32 s0, $0xA;
	s2 =	sadd.s32 s3, s2  }
0x8d: {  	s2 =	sadd.s32 s2, s17  }
0x8e: {  	[smem:$0x3FC1] =	sst s2  }
0x8f: {  	_ = 	snop  }
0x90: {  	s2 =	sld [smem:$0x3FC8];
	(tm) =	ssettm $0x1  }
0x91: {  	s18 =	sld [smem:$0x3FFB];
	_ =	sdelay $0x3  }
0x92: {  	_ =	strace s18  }
0x93: {  	s3 =	sld [smem:$0x3FFC];
	_ =	sdelay $0x3  }
0x94: {  	_ =	strace s3  }
0x95: {  	s3 =	sld [smem:$0x3FFD];
	_ =	sdelay $0x3  }
0x96: {  	_ =	strace s3  }
0x97: {  	_ =	strace $0x8FFFFFFF  }
0x98: {  	s19 =	sld [smem:$0x3FDB];
	_ =	sdelay $0x1  }
0x99: {  	s4 =	simm.s32 $_scs_section_size  }
0x9a: {  	s5 =	simm.s32 $_size__tile_overlayer_lowered;
	s6 =	simm.s32 $_tile_overlayer_lowered  }
0x9b: {  	s22 =	simm.s32 $0x1BFF;
	s21 =	sshll.u32 s6, $0x1;
	s3 =	sadd.s32 s4, s19  }
0x9c: {  	s7 =	simm.s32 $0x0;
	s20 =	sshll.u32 s5, $0x1;
	s5 =	sadd.s32 s21, s3  }
0x9d: {  	[timem:s7], [sflag:s22] =	dma.local [hbm:s5], s20  }
0x9e: {  	_ =	swait.ge [sflag:s22], s20  }
0x9f: {  	s4 =	ssub.s32 $0x0, s20;
	[sflag:s22] =	ssyncset.done $0x0  }
0xa0: {  	[sflag:s22] =	ssyncadd.s32 s4;
	_ =	sdelay $0x1  }
0xa1: {  	s23 =	simm.s32 $0x1B8B  }
0xa2: {  	_ =	swait.ge [sflag:s23], $0x1  }
0xa3: {  	[sflag:s23] =	ssyncset.done $0x0  }
0xa4: {  	s25 =	simm.s32 $0x1B8E;
	s24 =	sld [smem:$0x3FFE];
	[sflag:s23] =	ssyncadd.s32 $0xFFFFFFFF  }
0xa5: {  	s26 =	simm.s32 $execute0_lowered;
	[smem:$0x3FD2] =	sst s25  }
0xa6: {  	s5 =	sshll.u32 s26, $0x1;
	_ =	strace $0x80000049;
	[dreg:$0x1] =	wrdreg $0xFFFFFFFF  }
0xa7: {  	s28 =	simm.s32 $_size_execute0_lowered;
	s3 =	sadd.s32 s3, s5;
	[dreg:$0x0] =	wrdreg $0x0  }
0xa8: {  	s5 =	sshll.u32 s28, $0x1;
	[dreg:$0x2] =	wrdreg s3  }
0xa9: {  	[dreg:$0x3] =	wrdreg s5  }
0xaa: {  	[dreg:$0x4] =	wrdreg $0xC0  }
0xab: {  	_ =	task [dreg:s7], $0x5FFFF  }
0xac: {  	[dreg:$0x1] =	wrdreg $0xFFFFFFFF  }
0xad: {  	[dreg:$0x0] =	wrdreg $0x60  }
0xae: {  	[dreg:$0x2] =	wrdreg s2  }
0xaf: {  	[dreg:$0x3] =	wrdreg s24  }
0xb0: {  	[dreg:$0x4] =	wrdreg $0x9  }
0xb1: {  	_ =	task.clear_ibuf [dreg:s7], $0x5FFFF;
	_ =	strace $0x90000049  }
0xb2: {  	s29 =	simm.s32 $0x9;
	_ =	strace $0x8000004B  }
0xb3: {  	_ =	swait.ge [sflag:s29], $0x1  }
0xb4: {  	[sflag:s29] =	ssyncadd.s32 $0xFFFFFFFF  }
0xb5: {  	_ =	strace $0x9000004B  }
0xb6: {  	_ =	sfence  }
0xb7: {  	s30 =	sld [smem:$0x0];
	_ =	sdelay $0x2  }
0xb8: {  	s31 =	sshll.u32 s1, $0xD;
	s1 =	sshrl.u32 s1, $0x2  }
0xb9: {  	s3 =	sand.u32 $0x4000, s31;
	s1 =	sadd.s32 s1, s30  }
0xba: {  	s0 =	sor.u32 s3, s0;
	s1 =	sshll.u32 s1, $0x11  }
0xbb: {  	s0 =	sor.u32 s1, s0  }
0xbc: {  	s0 =	sadd.s32 $0x8F2B, s0  }
0xbd: {  	[sflag:s0] =	ssyncadd.remote.s32 $0x1  }
0xbe: {  	_ =	sfence.sel $0xFFFF  }
0xbf: {  	[dreg:$0x0] =	wrdreg $0xFFFFFFFF;
	(pc) =	sbr.abs _section_cstart, $3  }
0xc0: {  	[dreg:$0x1] =	wrdreg $0xFFFFFFFF  }
0xc1: {  	_ =	task.clear_ibuf [dreg:s7], $0x2FFFF;
	_ =	strace $0x9FFFFFFF  }
0xc2: {  	(tm) =	ssettm $0x7FFFFFFF  }
0xc3: {  	_ =	shalt  }
tec
execute0_lowered:
.L_overlay_start_1:
0x0: {  	(tag) =	ssettag $0x1  }
0x1: {  	s1 =	srdreg.scid  }
0x2: {  	s0 =	stileid.u32;
	s26 =	sand.u32 $0x1, s1  }
0x3: {  	s31 =	sshll.u32 s0, $0xC;
	s3 =	sshll.u32 s26, $0xB  }
0x4: {  	s2 =	rddreg [dreg:$0x0];
	s11 =	sor.u32 s3, s31  }
0x5: {  	s10 =	rddreg [dreg:$0x1];
	s3 =	simm.s32 $0x0;
	s4 =	sshrl.u32 s11, $0x3  }
0x6: {  	s5 =	simm.s32 $0x5;
	[smem:$0x7FF] =	sst s3;
	s4 =	sadd.s32 s4, s10  }
0x7: {  	s1 =	rddreg [dreg:$0x2];
	_ =	strace $0x8000004A;
	s4 =	sadd.s32 $0x1C00, s4  }
0x8: {  	[tilespmem:s3], [sflag:$0x5] =	stream.linear.gather [hbm4b:s4+s3], $0x800, $0x38;
	[tilespmem:$0x10800] =	vst v63  }
0x9: {  	_ =	swait.ge [sflag:s5], $0x800  }
0xa: {  	[sflag:s5] =	ssyncset.done $0x0  }
0xb: {  	s6 =	simm.s32 $0x100;
	s7 =	simm.s32 $0x800;
	[sflag:s5] =	ssyncadd.s32 $0xFFFFF800  }
0xc: {  	[tilespmem:s7], [sflag:$0x1] =	stream.indirect.gather [hbm4b:s2+s6], $0x80, s3, s6, $0xb8;
	[tilespmem:$0x10800] =	vst v63  }
0xd: {  	s8 =	simm.s32 $0x8800;
	s9 =	simm.s32 $0x1  }
0xe: {  	[tilespmem:s8], [sflag:$0x2] =	stream.indirect.gather [hbm4b:s2+s6], $0x80, s6, s6, $0xb8;
	[tilespmem:$0x10800] =	vst v63  }
0xf: {  	s11 =	sshll.u32 s11, $0x4;
	_ =	swait.ge [sflag:s9], $0x8000  }
0x10: {  	s28 =	sadd.s32 s11, s10;
	[sflag:s9] =	ssyncset.done $0x0  }
0x11: {  	s11 =	simm.s32 $0x3;
	s10 =	sadd.s32 $0x15C00, s28;
	[sflag:s9] =	ssyncadd.s32 $0xFFFF8000  }
0x12: {  	[hbm4b:s10+s3] =	stream.linear.scatter [tilespmem:s7], [sflag:$0x3], $0x8000, $0x38;
	[tilespmem:$0x10800] =	vst v63  }
0x13: {  	_ =	swait.ge [sflag:s11], $0x8000  }
0x14: {  	[sflag:s11] =	ssyncset.done $0x0  }
0x15: {  	s12 =	simm.s32 $0x200;
	s13 =	simm.s32 $0x2;
	[sflag:s11] =	ssyncadd.s32 $0xFFFF8000  }
0x16: {  	[tilespmem:s7], [sflag:$0x1] =	stream.indirect.gather [hbm4b:s2+s6], $0x80, s12, s6, $0xb8;
	[tilespmem:$0x10800] =	vst v63  }
0x17: {  	_ =	swait.ge [sflag:s13], $0x8000  }
0x18: {  	[sflag:s13] =	ssyncset.done $0x0  }
0x19: {  	s14 =	simm.s32 $0x4;
	s15 =	sadd.s32 $0x16C00, s28;
	[sflag:s13] =	ssyncadd.s32 $0xFFFF8000  }
0x1a: {  	[hbm4b:s15+s3] =	stream.linear.scatter [tilespmem:s8], [sflag:$0x4], $0x8000, $0x38;
	[tilespmem:$0x10800] =	vst v63  }
0x1b: {  	_ =	swait.ge [sflag:s14], $0x8000  }
0x1c: {  	[sflag:s14] =	ssyncset.done $0x0  }
0x1d: {  	s16 =	simm.s32 $0x300;
	[sflag:s14] =	ssyncadd.s32 $0xFFFF8000  }
0x1e: {  	[tilespmem:s8], [sflag:$0x2] =	stream.indirect.gather [hbm4b:s2+s6], $0x80, s16, s6, $0xb8;
	[tilespmem:$0x10800] =	vst v63  }
0x1f: {  	_ =	swait.ge [sflag:s9], $0x8000  }
0x20: {  	[sflag:s9] =	ssyncset.done $0x0  }
0x21: {  	s17 =	sadd.s32 $0x17C00, s28;
	[sflag:s9] =	ssyncadd.s32 $0xFFFF8000  }
0x22: {  	[hbm4b:s17+s3] =	stream.linear.scatter [tilespmem:s7], [sflag:$0x3], $0x8000, $0x38;
	[tilespmem:$0x10800] =	vst v63  }
0x23: {  	_ =	swait.ge [sflag:s11], $0x8000  }
0x24: {  	[sflag:s11] =	ssyncset.done $0x0  }
0x25: {  	s18 =	simm.s32 $0x400;
	[sflag:s11] =	ssyncadd.s32 $0xFFFF8000  }
0x26: {  	[tilespmem:s7], [sflag:$0x1] =	stream.indirect.gather [hbm4b:s2+s6], $0x80, s18, s6, $0xb8;
	[tilespmem:$0x10800] =	vst v63  }
0x27: {  	_ =	swait.ge [sflag:s13], $0x8000  }
0x28: {  	[sflag:s13] =	ssyncset.done $0x0  }
0x29: {  	s19 =	sadd.s32 $0x18C00, s28;
	[sflag:s13] =	ssyncadd.s32 $0xFFFF8000  }
0x2a: {  	[hbm4b:s19+s3] =	stream.linear.scatter [tilespmem:s8], [sflag:$0x4], $0x8000, $0x38;
	[tilespmem:$0x10800] =	vst v63  }
0x2b: {  	_ =	swait.ge [sflag:s14], $0x8000  }
0x2c: {  	[sflag:s14] =	ssyncset.done $0x0  }
0x2d: {  	s20 =	simm.s32 $0x500;
	[sflag:s14] =	ssyncadd.s32 $0xFFFF8000  }
0x2e: {  	[tilespmem:s8], [sflag:$0x2] =	stream.indirect.gather [hbm4b:s2+s6], $0x80, s20, s6, $0xb8;
	[tilespmem:$0x10800] =	vst v63  }
0x2f: {  	_ =	swait.ge [sflag:s9], $0x8000  }
0x30: {  	[sflag:s9] =	ssyncset.done $0x0  }
0x31: {  	s21 =	sadd.s32 $0x19C00, s28;
	[sflag:s9] =	ssyncadd.s32 $0xFFFF8000  }
0x32: {  	[hbm4b:s21+s3] =	stream.linear.scatter [tilespmem:s7], [sflag:$0x3], $0x8000, $0x38;
	[tilespmem:$0x10800] =	vst v63  }
0x33: {  	_ =	swait.ge [sflag:s11], $0x8000  }
0x34: {  	[sflag:s11] =	ssyncset.done $0x0  }
0x35: {  	s22 =	simm.s32 $0x600;
	[sflag:s11] =	ssyncadd.s32 $0xFFFF8000  }
0x36: {  	[tilespmem:s7], [sflag:$0x1] =	stream.indirect.gather [hbm4b:s2+s6], $0x80, s22, s6, $0xb8;
	[tilespmem:$0x10800] =	vst v63  }
0x37: {  	_ =	swait.ge [sflag:s13], $0x8000  }
0x38: {  	[sflag:s13] =	ssyncset.done $0x0  }
0x39: {  	s23 =	sadd.s32 $0x1AC00, s28;
	[sflag:s13] =	ssyncadd.s32 $0xFFFF8000  }
0x3a: {  	[hbm4b:s23+s3] =	stream.linear.scatter [tilespmem:s8], [sflag:$0x4], $0x8000, $0x38;
	[tilespmem:$0x10800] =	vst v63  }
0x3b: {  	_ =	swait.ge [sflag:s14], $0x8000  }
0x3c: {  	[sflag:s14] =	ssyncset.done $0x0  }
0x3d: {  	s24 =	simm.s32 $0x700;
	[sflag:s14] =	ssyncadd.s32 $0xFFFF8000  }
0x3e: {  	[tilespmem:s8], [sflag:$0x2] =	stream.indirect.gather [hbm4b:s2+s6], $0x80, s24, s6, $0xb8;
	[tilespmem:$0x10800] =	vst v63  }
0x3f: {  	_ =	swait.ge [sflag:s9], $0x8000  }
0x40: {  	s29 =	ssub.s32 $0x2, s26;
	s25 =	sadd.s32 $0x1BC00, s28;
	[sflag:s9] =	ssyncset.done $0x0  }
0x41: {  	s26 =	sadd.s32 $0x1CC00, s28;
	s28 =	sshrl.u32 s29, $0x1;
	[sflag:s9] =	ssyncadd.s32 $0xFFFF8000  }
0x42: {  	[hbm4b:s25+s3] =	stream.linear.scatter [tilespmem:s7], [sflag:$0x3], $0x8000, $0x38;
	[tilespmem:$0x10800] =	vst v63  }
0x43: {  	s28 =	ssub.s32 s29, s28;
	_ =	swait.ge [sflag:s13], $0x8000  }
0x44: {  	s28 =	smax.u32 s28, $0x1;
	[sflag:s13] =	ssyncset.done $0x0  }
0x45: {  	p0 =	sne.s32 s28, $0x1;
	[sflag:s13] =	ssyncadd.s32 $0xFFFF8000  }
0x46: {  	[hbm4b:s26+s3] =	stream.linear.scatter [tilespmem:s8], [sflag:$0x4], $0x8000, $0x38;
	[tilespmem:$0x10800] =	vst v63  }
.Ltmp0:
0x47: {  	_ =	swait.ge [sflag:s11], $0x8000;
	(pc) =	sbr.rel @!p0 .LBB2_2-.Ltmp0, $4  }
0x48: {  	[sflag:s11] =	ssyncset.done $0x0  }
0x49: {  	[sflag:s11] =	ssyncadd.s32 $0xFFFF8000  }
0x4a: {  	_ =	swait.ge [sflag:s14], $0x8000  }
0x4b: {  	s28 =	sadd.s32 $0xFFFFFFFF, s28;
	[sflag:s14] =	ssyncset.done $0x0  }
.LBB2_1:
0x4c: {  	p0 =	sne.s32 s28, $0x1;
	s28 =	sadd.s32 $0xFFFFFFFF, s28;
	[sflag:s14] =	ssyncadd.s32 $0xFFFF8000  }
0x4d: {  	[tilespmem:s3], [sflag:$0x5] =	stream.linear.gather [hbm4b:s4+s3], $0x800, $0x38;
	[tilespmem:$0x10800] =	vst v63  }
0x4e: {  	_ =	swait.ge [sflag:s5], $0x800  }
0x4f: {  	[sflag:s5] =	ssyncset.done $0x0  }
0x50: {  	[sflag:s5] =	ssyncadd.s32 $0xFFFFF800  }
0x51: {  	[tilespmem:s7], [sflag:$0x1] =	stream.indirect.gather [hbm4b:s2+s6], $0x80, s3, s6, $0xb8;
	[tilespmem:$0x10800] =	vst v63  }
0x52: {  	_ = 	snop  }
0x53: {  	[tilespmem:s8], [sflag:$0x2] =	stream.indirect.gather [hbm4b:s2+s6], $0x80, s6, s6, $0xb8;
	[tilespmem:$0x10800] =	vst v63  }
0x54: {  	_ =	swait.ge [sflag:s9], $0x8000  }
0x55: {  	[sflag:s9] =	ssyncset.done $0x0  }
0x56: {  	[sflag:s9] =	ssyncadd.s32 $0xFFFF8000  }
0x57: {  	[hbm4b:s10+s3] =	stream.linear.scatter [tilespmem:s7], [sflag:$0x3], $0x8000, $0x38;
	[tilespmem:$0x10800] =	vst v63  }
0x58: {  	_ =	swait.ge [sflag:s11], $0x8000  }
0x59: {  	[sflag:s11] =	ssyncset.done $0x0  }
0x5a: {  	[sflag:s11] =	ssyncadd.s32 $0xFFFF8000  }
0x5b: {  	[tilespmem:s7], [sflag:$0x1] =	stream.indirect.gather [hbm4b:s2+s6], $0x80, s12, s6, $0xb8;
	[tilespmem:$0x10800] =	vst v63  }
0x5c: {  	_ =	swait.ge [sflag:s13], $0x8000  }
0x5d: {  	[sflag:s13] =	ssyncset.done $0x0  }
0x5e: {  	[sflag:s13] =	ssyncadd.s32 $0xFFFF8000  }
0x5f: {  	[hbm4b:s15+s3] =	stream.linear.scatter [tilespmem:s8], [sflag:$0x4], $0x8000, $0x38;
	[tilespmem:$0x10800] =	vst v63  }
0x60: {  	_ =	swait.ge [sflag:s14], $0x8000  }
0x61: {  	[sflag:s14] =	ssyncset.done $0x0  }
0x62: {  	[sflag:s14] =	ssyncadd.s32 $0xFFFF8000  }
0x63: {  	[tilespmem:s8], [sflag:$0x2] =	stream.indirect.gather [hbm4b:s2+s6], $0x80, s16, s6, $0xb8;
	[tilespmem:$0x10800] =	vst v63  }
0x64: {  	_ =	swait.ge [sflag:s9], $0x8000  }
0x65: {  	[sflag:s9] =	ssyncset.done $0x0  }
0x66: {  	[sflag:s9] =	ssyncadd.s32 $0xFFFF8000  }
0x67: {  	[hbm4b:s17+s3] =	stream.linear.scatter [tilespmem:s7], [sflag:$0x3], $0x8000, $0x38;
	[tilespmem:$0x10800] =	vst v63  }
0x68: {  	_ =	swait.ge [sflag:s11], $0x8000  }
0x69: {  	[sflag:s11] =	ssyncset.done $0x0  }
0x6a: {  	[sflag:s11] =	ssyncadd.s32 $0xFFFF8000  }
0x6b: {  	[tilespmem:s7], [sflag:$0x1] =	stream.indirect.gather [hbm4b:s2+s6], $0x80, s18, s6, $0xb8;
	[tilespmem:$0x10800] =	vst v63  }
0x6c: {  	_ =	swait.ge [sflag:s13], $0x8000  }
0x6d: {  	[sflag:s13] =	ssyncset.done $0x0  }
0x6e: {  	[sflag:s13] =	ssyncadd.s32 $0xFFFF8000  }
0x6f: {  	[hbm4b:s19+s3] =	stream.linear.scatter [tilespmem:s8], [sflag:$0x4], $0x8000, $0x38;
	[tilespmem:$0x10800] =	vst v63  }
0x70: {  	_ =	swait.ge [sflag:s14], $0x8000  }
0x71: {  	[sflag:s14] =	ssyncset.done $0x0  }
0x72: {  	[sflag:s14] =	ssyncadd.s32 $0xFFFF8000  }
0x73: {  	[tilespmem:s8], [sflag:$0x2] =	stream.indirect.gather [hbm4b:s2+s6], $0x80, s20, s6, $0xb8;
	[tilespmem:$0x10800] =	vst v63  }
0x74: {  	_ =	swait.ge [sflag:s9], $0x8000  }
0x75: {  	[sflag:s9] =	ssyncset.done $0x0  }
0x76: {  	[sflag:s9] =	ssyncadd.s32 $0xFFFF8000  }
0x77: {  	[hbm4b:s21+s3] =	stream.linear.scatter [tilespmem:s7], [sflag:$0x3], $0x8000, $0x38;
	[tilespmem:$0x10800] =	vst v63  }
0x78: {  	_ =	swait.ge [sflag:s11], $0x8000  }
0x79: {  	[sflag:s11] =	ssyncset.done $0x0  }
0x7a: {  	[sflag:s11] =	ssyncadd.s32 $0xFFFF8000  }
0x7b: {  	[tilespmem:s7], [sflag:$0x1] =	stream.indirect.gather [hbm4b:s2+s6], $0x80, s22, s6, $0xb8;
	[tilespmem:$0x10800] =	vst v63  }
0x7c: {  	_ =	swait.ge [sflag:s13], $0x8000  }
0x7d: {  	[sflag:s13] =	ssyncset.done $0x0  }
0x7e: {  	[sflag:s13] =	ssyncadd.s32 $0xFFFF8000  }
0x7f: {  	[hbm4b:s23+s3] =	stream.linear.scatter [tilespmem:s8], [sflag:$0x4], $0x8000, $0x38;
	[tilespmem:$0x10800] =	vst v63  }
0x80: {  	_ =	swait.ge [sflag:s14], $0x8000  }
0x81: {  	[sflag:s14] =	ssyncset.done $0x0  }
0x82: {  	[sflag:s14] =	ssyncadd.s32 $0xFFFF8000  }
0x83: {  	[tilespmem:s8], [sflag:$0x2] =	stream.indirect.gather [hbm4b:s2+s6], $0x80, s24, s6, $0xb8;
	[tilespmem:$0x10800] =	vst v63  }
0x84: {  	_ =	swait.ge [sflag:s9], $0x8000  }
0x85: {  	[sflag:s9] =	ssyncset.done $0x0  }
0x86: {  	[sflag:s9] =	ssyncadd.s32 $0xFFFF8000  }
0x87: {  	[hbm4b:s25+s3] =	stream.linear.scatter [tilespmem:s7], [sflag:$0x3], $0x8000, $0x38;
	[tilespmem:$0x10800] =	vst v63  }
0x88: {  	_ =	swait.ge [sflag:s13], $0x8000  }
0x89: {  	[sflag:s13] =	ssyncset.done $0x0  }
0x8a: {  	[sflag:s13] =	ssyncadd.s32 $0xFFFF8000  }
0x8b: {  	[hbm4b:s26+s3] =	stream.linear.scatter [tilespmem:s8], [sflag:$0x4], $0x8000, $0x38;
	[tilespmem:$0x10800] =	vst v63  }
.Ltmp1:
0x8c: {  	_ =	swait.ge [sflag:s11], $0x8000;
	(pc) =	sbr.rel @p0 .LBB2_1-.Ltmp1, $4  }
0x8d: {  	[sflag:s11] =	ssyncset.done $0x0  }
0x8e: {  	[sflag:s11] =	ssyncadd.s32 $0xFFFF8000  }
0x8f: {  	_ =	swait.ge [sflag:s14], $0x8000  }
0x90: {  	[sflag:s14] =	ssyncset.done $0x0  }
.LBB2_2:
0x91: {  	[sflag:s14] =	ssyncadd.s32 $0xFFFF8000  }
0x92: {  	_ =	sfence.sel $0x180000  }
0x93: {  	[bflag:$0x0] =	sbarrier.arrive $0xFFFF  }
0x94: {  	p0 =	sne.s32 s0, $0x0;
	_ =	strace $0x9000004A  }
0x95: {  	s0 =	sadd.s32 @!p0 $0x100000, s1;
	[bflag:$0x2] =	sbarrier.arrive $0xFFFF  }
0x96: {  	[sflag:s0] =	ssyncadd.tile.s32 @!p0 $0x1;
	_ =	shalt  }
.Lfunc_end2:
_tile_overlayer_lowered:
.L_overlay_start_2:
0x97: {  	(tag) =	ssettag $0x2  }
0x98: {  	s0 =	rddreg [dreg:$0x0];
	s2 =	stileid.u32  }
0x99: {  	s1 =	rddreg [dreg:$0x1];
	p0 =	sne.s32 s2, $0x0  }
0x9a: {  	s3 =	rddreg [dreg:$0x2];
	[bflag:$0x3] =	sbarrier.arrive $0xFFFF;
	s2 =	simm.s32 @!p0 $0x1C05  }
0x9b: {  	[timem:s3], [sflag:s2] =	dma.local @!p0 [hbm:s0], s1  }
0x9c: {  	s0 =	simm.s32 @!p0 $0x5  }
0x9d: {  	_ =	swait.ge @!p0 [sflag:s0], s1  }
0x9e: {  	s1 =	ssub.s32 @!p0 $0x0, s1;
	[sflag:s0] =	ssyncset.done @!p0 $0x0  }
0x9f: {  	[sflag:s0] =	ssyncadd.s32 @!p0 s1  }
0xa0: {  	[bflag:$0x3] =	sbarrier.arrive $0xFFFF  }
0xa1: {  	_ =	shalt  }

</sc_bundles>
